<compile_context>
chip_gen: v7x
topology: tpu7x:2x2x1
jax: 0.10.2.dev20260603
libtpu: 0.0.44.dev20260713+nightly
codegen_flags: <defaults>
</compile_context>

<pallas_src>
import functools

import jax
import jax.numpy as jnp
from jax import lax
from jax.experimental import pallas as pl
from jax.experimental.pallas import tpu as pltpu
from jax.experimental.pallas import tpu_sc as plsc

N = 10000
E = 320000
D = 128
C = 10
G = 64

NC = 2
NS = 16
NW = NC * NS
EPW = E // NW
K = 80
CHUNKS = EPW // K
RPS = 624
RTAIL = N - RPS * NS
LANES = 16


def _sc_body(x_hbm, sd_hbm, w_hbm, zero_hbm, out_hbm,
             sd0_v, sd1_v, w_v, rows0_v, rows1_v, agg_sh, sem0, sem1):
    c = lax.axis_index("c")
    s = lax.axis_index("s")
    wid = c * NS + s

    pltpu.sync_copy(w_hbm.at[pl.ds(wid * EPW, EPW)], w_v.at[pl.ds(8, EPW)])

    pltpu.sync_copy(zero_hbm.at[pl.ds(s * RPS, RPS)],
                    agg_sh.at[pl.ds(s * RPS, RPS)])

    @pl.when(s == NS - 1)
    def _zero_tail():
        pltpu.sync_copy(zero_hbm.at[pl.ds(RPS * NS, RTAIL)],
                        agg_sh.at[pl.ds(RPS * NS, RTAIL)])

    plsc.subcore_barrier()

    def load_sd(g, sd_v):
        pltpu.sync_copy(sd_hbm.at[wid, g], sd_v)

    def gather(sd_v, rows_v, sem):
        return pltpu.make_async_copy(x_hbm.at[sd_v.at[0]], rows_v, sem)

    def scale_and_scatter(g, rows_v, sd_v):
        wbase = g * K + 8

        @plsc.parallel_loop(0, K, unroll=8)
        def _scale(e):
            eidx = jnp.full((LANES,), 0, dtype=jnp.int32) + (e + wbase)
            wspl = plsc.load_gather(w_v, [eidx])
            for j in range(D // LANES):
                sl = rows_v[e, pl.ds(j * LANES, LANES)]
                rows_v[e, pl.ds(j * LANES, LANES)] = sl * wspl

        pltpu.sync_copy(rows_v, agg_sh.at[sd_v.at[1]], add=True)

    load_sd(0, sd0_v)
    gather(sd0_v, rows0_v, sem0).start()

    def pair_body(h, carry):
        g0 = h * 2
        load_sd(g0 + 1, sd1_v)
        gather(sd1_v, rows1_v, sem1).start()
        gather(sd0_v, rows0_v, sem0).wait()
        scale_and_scatter(g0, rows0_v, sd0_v)
        load_sd(g0 + 2, sd0_v)
        gather(sd0_v, rows0_v, sem0).start()
        gather(sd1_v, rows1_v, sem1).wait()
        scale_and_scatter(g0 + 1, rows1_v, sd1_v)
        return carry

    lax.fori_loop(0, CHUNKS // 2, pair_body, 0)
    gather(sd0_v, rows0_v, sem0).wait()
    scale_and_scatter(CHUNKS - 1, rows0_v, sd0_v)
    plsc.subcore_barrier()

    pltpu.sync_copy(agg_sh.at[pl.ds(s * RPS, RPS)],
                    out_hbm.at[c, pl.ds(s * RPS, RPS)])

    @pl.when(s == NS - 1)
    def _flush_tail():
        pltpu.sync_copy(agg_sh.at[pl.ds(RPS * NS, RTAIL)],
                        out_hbm.at[c, pl.ds(RPS * NS, RTAIL)])


_sc_aggregate = pl.kernel(
    _sc_body,
    out_type=jax.ShapeDtypeStruct((NC, N, D), jnp.float32),
    mesh=plsc.VectorSubcoreMesh(
        core_axis_name="c", subcore_axis_name="s",
        num_cores=NC, num_subcores=NS),
    scratch_types=[
        pltpu.VMEM((2, K), jnp.int32),
        pltpu.VMEM((2, K), jnp.int32),
        pltpu.VMEM((EPW + 8,), jnp.float32),
        pltpu.VMEM((K, D), jnp.float32),
        pltpu.VMEM((K, D), jnp.float32),
        pltpu.VMEM_SHARED((N, D), jnp.float32),
        pltpu.SemaphoreType.DMA,
        pltpu.SemaphoreType.DMA,
    ],
    compiler_params=pltpu.CompilerParams(needs_layout_passes=False),
)


def _tc_head_body(agg_ref, batch_ref, wenc_ref, benc_ref, wcls_ref, bcls_ref,
                  out_ref):
    agg = agg_ref[0] + agg_ref[1]
    h = jnp.dot(agg, wenc_ref[...], preferred_element_type=jnp.float32)
    h = jnp.maximum(h + benc_ref[...], 0.0)
    bt = batch_ref[...]
    gids = lax.broadcasted_iota(jnp.int32, (G, N), 0)
    oh = (gids == bt).astype(jnp.float32)
    pooled_sum = jnp.dot(oh, h, preferred_element_type=jnp.float32)
    counts = jnp.sum(oh, axis=1, keepdims=True)
    pooled = pooled_sum / jnp.maximum(counts, 1.0)
    logits = jnp.dot(pooled, wcls_ref[...],
                     preferred_element_type=jnp.float32) + bcls_ref[...]
    out_ref[...] = logits


_tc_head = pl.pallas_call(
    _tc_head_body,
    out_shape=jax.ShapeDtypeStruct((G, C), jnp.float32),
)


def kernel(x, edge_index, batch, edge_weight, W_enc, b_enc, W_cls, b_cls):
    sd = jnp.stack([edge_index[0].reshape(NW, CHUNKS, K),
                    edge_index[1].reshape(NW, CHUNKS, K)], axis=2)
    zeros_nd = jnp.zeros((N, D), jnp.float32)
    agg2 = _sc_aggregate(x, sd, edge_weight, zeros_nd)
    return _tc_head(agg2, batch.reshape(1, N), W_enc, b_enc.reshape(1, D),
                    W_cls, b_cls.reshape(1, C))

# --- scband reference (transcript-rebuilt; emitter-appended) ---
"""Pipeline reference for scband-graph-classifier-25220047962615 (READ-ONLY COPY).

The authoritative reference and input builder live on the scoring server;
editing this copy changes nothing except your own understanding.
"""

import jax, jax.numpy as jnp
import numpy as np

N = 10000   # nodes
E = 320000  # edges
D = 128     # feature / hidden channels
C = 10      # num classes
G = 64      # graphs in batch


def setup_inputs(seed: int = 0) -> dict:
    key = jax.random.key(seed)
    ks = jax.random.split(key, 8)
    x = jax.random.normal(ks[0], (N, D), dtype=jnp.float32)
    edge_index = jax.random.randint(ks[1], (2, E), 0, N, dtype=jnp.int32)
    batch = jnp.sort(jax.random.randint(ks[2], (N,), 0, G, dtype=jnp.int32))
    edge_weight = jax.random.uniform(ks[3], (E,), dtype=jnp.float32)
    # learned params: encoder (single message-passing layer) + classifier
    W_enc = jax.random.normal(ks[4], (D, D), dtype=jnp.float32) * 0.05
    b_enc = jnp.zeros((D,), dtype=jnp.float32)
    W_cls = jax.random.normal(ks[5], (D, C), dtype=jnp.float32) * 0.05
    b_cls = jnp.zeros((C,), dtype=jnp.float32)
    return {
        "x": x,
        "edge_index": edge_index,
        "batch": batch,
        "edge_weight": edge_weight,
        "W_enc": W_enc,
        "b_enc": b_enc,
        "W_cls": W_cls,
        "b_cls": b_cls,
    }


def reference(x, edge_index, batch, edge_weight, W_enc, b_enc, W_cls, b_cls):
    # --- encoder: weighted message passing (GCN-style) ---
    src = edge_index[0]
    dst = edge_index[1]
    msgs = x[src] * edge_weight[:, None]                      # gather + scale
    agg = jax.ops.segment_sum(msgs, dst, num_segments=N)     # scatter-add
    h = jax.nn.relu(agg @ W_enc + b_enc)
    # --- global_mean_pool over graph ids in `batch` ---
    summed = jax.ops.segment_sum(h, batch, num_segments=G)
    counts = jax.ops.segment_sum(jnp.ones((N,), dtype=jnp.float32), batch, num_segments=G)
    pooled = summed / jnp.clip(counts, 1.0, None)[:, None]
    # --- classifier ---
    logits = pooled @ W_cls + b_cls
    return logits

if __name__ == "__main__":
    import jax
    _d = setup_inputs()
    print(jax.jit(kernel)(*tuple(_d.values())))

</pallas_src>

<mosaic_0001>
#map = affine_map<(d0, d1) -> (0, 0)>
#map1 = affine_map<(d0, d1) -> (0, 0, 0, 0)>
#map2 = affine_map<(d0, d1) -> (0)>
#map3 = affine_map<(d0, d1) -> (0, 0, 0)>
module attributes {stable_mosaic.version = 14 : i64} {
  func.func @_sc_body(%arg0: i32, %arg1: i32, %arg2: memref<10000x128xf32, #tpu.memory_space<hbm>>, %arg3: memref<32x125x2x80xi32, #tpu.memory_space<hbm>>, %arg4: memref<320000xf32, #tpu.memory_space<hbm>>, %arg5: memref<10000x128xf32, #tpu.memory_space<hbm>>, %arg6: memref<2x10000x128xf32, #tpu.memory_space<hbm>>, %arg7: memref<2x80xi32, #tpu.memory_space<vmem>>, %arg8: memref<2x80xi32, #tpu.memory_space<vmem>>, %arg9: memref<10008xf32, #tpu.memory_space<vmem>>, %arg10: memref<80x128xf32, #tpu.memory_space<vmem>>, %arg11: memref<80x128xf32, #tpu.memory_space<vmem>>, %arg12: memref<10000x128xf32, #tpu.memory_space<vmem_shared>>, %arg13: memref<!tpu.dma_semaphore, #tpu.memory_space<semaphore_mem>>, %arg14: memref<!tpu.dma_semaphore, #tpu.memory_space<semaphore_mem>>) attributes {dimension_semantics = [#tpu.dimension_semantics<core_parallel>, #tpu.dimension_semantics<subcore_parallel>], iteration_bounds = array<i64: 2, 16>, scalar_prefetch = 0 : i64, scratch_operands = 8 : i64, tpu.core_type = #tpu.core_type<sc_vector_subcore>, window_params = [{transform_indices = #map}, {transform_indices = #map1}, {transform_indices = #map2}, {transform_indices = #map}, {transform_indices = #map3}]} {
    %mul3A = arith.constant 16 : i32
    %mul3A_0 = arith.muli %arg0, %mul3A : i32
    %add3A = arith.addi %mul3A_0, %arg1 : i32
    %mul3A_1 = arith.constant 10000 : i32
    %mul3A_2 = arith.muli %add3A, %mul3A_1 : i32
    "tpu.region"() ({
      %run_scoped3A_39 = tpu.sem_alloc : memref<!tpu.dma_semaphore, #tpu.memory_space<semaphore_mem>>
      %dma_start3A_40 = arith.constant 8 : i32
      %dma_start3A_41 = tpu.memref_slice %arg9[%dma_start3A_40] : memref<10008xf32, #tpu.memory_space<vmem>> -> memref<10000xf32, #tpu.memory_space<vmem>>
      %dma_start3A_42 = tpu.memref_slice %arg4[%mul3A_2] : memref<320000xf32, #tpu.memory_space<hbm>> -> memref<10000xf32, #tpu.memory_space<hbm>>
      %dma_start3A_43 = arith.constant 8 : i32
      %dma_start3A_44 = tpu.memref_slice %arg9[%dma_start3A_43] : memref<10008xf32, #tpu.memory_space<vmem>> -> memref<10000xf32, #tpu.memory_space<vmem>>
      %dma_start3A_45 = tpu.memref_slice %arg4[%mul3A_2] : memref<320000xf32, #tpu.memory_space<hbm>> -> memref<10000xf32, #tpu.memory_space<hbm>>
      tpu.enqueue_dma source(%dma_start3A_45 : memref<10000xf32, #tpu.memory_space<hbm>>) target(%dma_start3A_44 : memref<10000xf32, #tpu.memory_space<vmem>>) target_semaphore(%run_scoped3A_39 : memref<!tpu.dma_semaphore, #tpu.memory_space<semaphore_mem>>)
      %dma_wait3A_46 = arith.constant 8 : i32
      %dma_wait3A_47 = tpu.memref_slice %arg9[%dma_wait3A_46] : memref<10008xf32, #tpu.memory_space<vmem>> -> memref<10000xf32, #tpu.memory_space<vmem>>
      %dma_wait3A_48 = tpu.memref_slice %arg4[%mul3A_2] : memref<320000xf32, #tpu.memory_space<hbm>> -> memref<10000xf32, #tpu.memory_space<hbm>>
      %dma_wait3A_49 = arith.constant 8 : i32
      %dma_wait3A_50 = tpu.memref_slice %arg9[%dma_wait3A_49] : memref<10008xf32, #tpu.memory_space<vmem>> -> memref<10000xf32, #tpu.memory_space<vmem>>
      %dma_wait3A_51 = tpu.memref_slice %arg4[%mul3A_2] : memref<320000xf32, #tpu.memory_space<hbm>> -> memref<10000xf32, #tpu.memory_space<hbm>>
      tpu.wait_dma2 semaphore(%run_scoped3A_39 : memref<!tpu.dma_semaphore, #tpu.memory_space<semaphore_mem>>) src(%dma_wait3A_51 : memref<10000xf32, #tpu.memory_space<hbm>>) dst(%dma_wait3A_50 : memref<10000xf32, #tpu.memory_space<vmem>>)
      tpu.yield
    }) : () -> ()
    %mul3A_3 = arith.constant 624 : i32
    %mul3A_4 = arith.muli %arg1, %mul3A_3 : i32
    %mul3A_5 = arith.constant 624 : i32
    %mul3A_6 = arith.muli %arg1, %mul3A_5 : i32
    "tpu.region"() ({
      %run_scoped3A_39 = tpu.sem_alloc : memref<!tpu.dma_semaphore, #tpu.memory_space<semaphore_mem>>
      %dma_start3A_40 = arith.constant 0 : i32
      %dma_start3A_41 = tpu.memref_slice %arg12[%mul3A_6, %dma_start3A_40] : memref<10000x128xf32, #tpu.memory_space<vmem_shared>> -> memref<624x128xf32, #tpu.memory_space<vmem_shared>>
      %dma_start3A_42 = arith.constant 0 : i32
      %dma_start3A_43 = tpu.memref_slice %arg5[%mul3A_4, %dma_start3A_42] : memref<10000x128xf32, #tpu.memory_space<hbm>> -> memref<624x128xf32, #tpu.memory_space<hbm>>
      tpu.enqueue_dma source(%dma_start3A_43 : memref<624x128xf32, #tpu.memory_space<hbm>>) target(%dma_start3A_41 : memref<624x128xf32, #tpu.memory_space<vmem_shared>>) target_semaphore(%run_scoped3A_39 : memref<!tpu.dma_semaphore, #tpu.memory_space<semaphore_mem>>)
      %dma_wait3A_44 = arith.constant 0 : i32
      %dma_wait3A_45 = tpu.memref_slice %arg12[%mul3A_6, %dma_wait3A_44] : memref<10000x128xf32, #tpu.memory_space<vmem_shared>> -> memref<624x128xf32, #tpu.memory_space<vmem_shared>>
      %dma_wait3A_46 = arith.constant 0 : i32
      %dma_wait3A_47 = tpu.memref_slice %arg5[%mul3A_4, %dma_wait3A_46] : memref<10000x128xf32, #tpu.memory_space<hbm>> -> memref<624x128xf32, #tpu.memory_space<hbm>>
      tpu.wait_dma2 semaphore(%run_scoped3A_39 : memref<!tpu.dma_semaphore, #tpu.memory_space<semaphore_mem>>) src(%dma_wait3A_47 : memref<624x128xf32, #tpu.memory_space<hbm>>) dst(%dma_wait3A_45 : memref<624x128xf32, #tpu.memory_space<vmem_shared>>)
      tpu.yield
    }) : () -> ()
    %eq3A = arith.constant 15 : i32
    %eq3A_7 = arith.cmpi eq, %arg1, %eq3A : i32
    %convert_element_type3A = arith.extui %eq3A_7 : i1 to i32
    %cond3A = arith.constant 0 : i32
    %cond3A_8 = arith.cmpi ne, %convert_element_type3A, %cond3A : i32
    scf.if %cond3A_8 {
      "tpu.region"() ({
        %run_scoped3A_39 = tpu.sem_alloc : memref<!tpu.dma_semaphore, #tpu.memory_space<semaphore_mem>>
        %dma_start3A_40 = arith.constant 9984 : i32
        %dma_start3A_41 = arith.constant 0 : i32
        %dma_start3A_42 = tpu.memref_slice %arg12[%dma_start3A_40, %dma_start3A_41] : memref<10000x128xf32, #tpu.memory_space<vmem_shared>> -> memref<16x128xf32, #tpu.memory_space<vmem_shared>>
        %dma_start3A_43 = arith.constant 9984 : i32
        %dma_start3A_44 = arith.constant 0 : i32
        %dma_start3A_45 = tpu.memref_slice %arg5[%dma_start3A_43, %dma_start3A_44] : memref<10000x128xf32, #tpu.memory_space<hbm>> -> memref<16x128xf32, #tpu.memory_space<hbm>>
        tpu.enqueue_dma source(%dma_start3A_45 : memref<16x128xf32, #tpu.memory_space<hbm>>) target(%dma_start3A_42 : memref<16x128xf32, #tpu.memory_space<vmem_shared>>) target_semaphore(%run_scoped3A_39 : memref<!tpu.dma_semaphore, #tpu.memory_space<semaphore_mem>>)
        %dma_wait3A_46 = arith.constant 9984 : i32
        %dma_wait3A_47 = arith.constant 0 : i32
        %dma_wait3A_48 = tpu.memref_slice %arg12[%dma_wait3A_46, %dma_wait3A_47] : memref<10000x128xf32, #tpu.memory_space<vmem_shared>> -> memref<16x128xf32, #tpu.memory_space<vmem_shared>>
        %dma_wait3A_49 = arith.constant 9984 : i32
        %dma_wait3A_50 = arith.constant 0 : i32
        %dma_wait3A_51 = tpu.memref_slice %arg5[%dma_wait3A_49, %dma_wait3A_50] : memref<10000x128xf32, #tpu.memory_space<hbm>> -> memref<16x128xf32, #tpu.memory_space<hbm>>
        tpu.wait_dma2 semaphore(%run_scoped3A_39 : memref<!tpu.dma_semaphore, #tpu.memory_space<semaphore_mem>>) src(%dma_wait3A_51 : memref<16x128xf32, #tpu.memory_space<hbm>>) dst(%dma_wait3A_48 : memref<16x128xf32, #tpu.memory_space<vmem_shared>>)
        tpu.yield
      }) : () -> ()
    } else {
    }
    %barrier3A = arith.constant 0 : index
    tpu.barrier barrier_id(%barrier3A)
    %run_scoped3A = arith.constant 0 : i32
    "tpu.region"() ({
      %run_scoped3A_39 = tpu.sem_alloc : memref<!tpu.dma_semaphore, #tpu.memory_space<semaphore_mem>>
      %dma_start3A_40 = arith.constant 0 : i32
      %dma_start3A_41 = arith.constant 0 : i32
      %dma_start3A_42 = tpu.memref_slice %arg3[%add3A, %run_scoped3A, %dma_start3A_40, %dma_start3A_41] : memref<32x125x2x80xi32, #tpu.memory_space<hbm>> -> memref<1x1x2x80xi32, #tpu.memory_space<hbm>>
      %dma_start3A_43 = tpu.memref_squeeze %dma_start3A_42 : memref<1x1x2x80xi32, #tpu.memory_space<hbm>> -> memref<2x80xi32, #tpu.memory_space<hbm>>
      %dma_start3A_44 = arith.constant 0 : i32
      %dma_start3A_45 = arith.constant 0 : i32
      %dma_start3A_46 = tpu.memref_slice %arg3[%add3A, %run_scoped3A, %dma_start3A_44, %dma_start3A_45] : memref<32x125x2x80xi32, #tpu.memory_space<hbm>> -> memref<1x1x2x80xi32, #tpu.memory_space<hbm>>
      %dma_start3A_47 = tpu.memref_squeeze %dma_start3A_46 : memref<1x1x2x80xi32, #tpu.memory_space<hbm>> -> memref<2x80xi32, #tpu.memory_space<hbm>>
      tpu.enqueue_dma source(%dma_start3A_47 : memref<2x80xi32, #tpu.memory_space<hbm>>) target(%arg7 : memref<2x80xi32, #tpu.memory_space<vmem>>) target_semaphore(%run_scoped3A_39 : memref<!tpu.dma_semaphore, #tpu.memory_space<semaphore_mem>>)
      %dma_wait3A_48 = arith.constant 0 : i32
      %dma_wait3A_49 = arith.constant 0 : i32
      %dma_wait3A_50 = tpu.memref_slice %arg3[%add3A, %run_scoped3A, %dma_wait3A_48, %dma_wait3A_49] : memref<32x125x2x80xi32, #tpu.memory_space<hbm>> -> memref<1x1x2x80xi32, #tpu.memory_space<hbm>>
      %dma_wait3A_51 = tpu.memref_squeeze %dma_wait3A_50 : memref<1x1x2x80xi32, #tpu.memory_space<hbm>> -> memref<2x80xi32, #tpu.memory_space<hbm>>
      %dma_wait3A_52 = arith.constant 0 : i32
      %dma_wait3A_53 = arith.constant 0 : i32
      %dma_wait3A_54 = tpu.memref_slice %arg3[%add3A, %run_scoped3A, %dma_wait3A_52, %dma_wait3A_53] : memref<32x125x2x80xi32, #tpu.memory_space<hbm>> -> memref<1x1x2x80xi32, #tpu.memory_space<hbm>>
      %dma_wait3A_55 = tpu.memref_squeeze %dma_wait3A_54 : memref<1x1x2x80xi32, #tpu.memory_space<hbm>> -> memref<2x80xi32, #tpu.memory_space<hbm>>
      tpu.wait_dma2 semaphore(%run_scoped3A_39 : memref<!tpu.dma_semaphore, #tpu.memory_space<semaphore_mem>>) src(%dma_wait3A_55 : memref<2x80xi32, #tpu.memory_space<hbm>>) dst(%arg7 : memref<2x80xi32, #tpu.memory_space<vmem>>)
      tpu.yield
    }) : () -> ()
    %dma_start3A = arith.constant 0 : i32
    %dma_start3A_9 = arith.constant 0 : i32
    %dma_start3A_10 = tpu.memref_slice %arg7[%dma_start3A, %dma_start3A_9] : memref<2x80xi32, #tpu.memory_space<vmem>> -> memref<1x80xi32, #tpu.memory_space<vmem>>
    %dma_start3A_11 = tpu.memref_squeeze %dma_start3A_10 : memref<1x80xi32, #tpu.memory_space<vmem>> -> memref<80xi32, #tpu.memory_space<vmem>>
    %dma_start3A_12 = arith.constant 0 : i32
    %dma_start3A_13 = arith.constant 0 : i32
    %dma_start3A_14 = tpu.memref_slice %arg2[%dma_start3A_12, %dma_start3A_13] : memref<10000x128xf32, #tpu.memory_space<hbm>> -> memref<10000x128xf32, #tpu.memory_space<hbm>>
    tpu.enqueue_indirect_dma source(%dma_start3A_14 : memref<10000x128xf32, #tpu.memory_space<hbm>>) target(%arg10 : memref<80x128xf32, #tpu.memory_space<vmem>>) offsets(%dma_start3A_11 : memref<80xi32, #tpu.memory_space<vmem>>) semaphore(%arg13 : memref<!tpu.dma_semaphore, #tpu.memory_space<semaphore_mem>>)
    %scan3A = arith.constant 0 : i32
    %scan3A_15 = arith.constant 0 : i32
    %scan3A_16 = arith.constant 62 : i32
    %scan3A_17 = arith.addi %scan3A_15, %scan3A_16 : i32
    %scan3A_18 = arith.constant 1 : i32
    scf.for %scan3A_39 = %scan3A_15 to %scan3A_17 step %scan3A_18  : i32 {
      %mul3A_40 = arith.constant 2 : i32
      %mul3A_41 = arith.muli %scan3A_39, %mul3A_40 : i32
      %add3A_42 = arith.constant 1 : i32
      %add3A_43 = arith.addi %mul3A_41, %add3A_42 : i32
      "tpu.region"() ({
        %run_scoped3A_92 = tpu.sem_alloc : memref<!tpu.dma_semaphore, #tpu.memory_space<semaphore_mem>>
        %dma_start3A_93 = arith.constant 0 : i32
        %dma_start3A_94 = arith.constant 0 : i32
        %dma_start3A_95 = tpu.memref_slice %arg3[%add3A, %add3A_43, %dma_start3A_93, %dma_start3A_94] : memref<32x125x2x80xi32, #tpu.memory_space<hbm>> -> memref<1x1x2x80xi32, #tpu.memory_space<hbm>>
        %dma_start3A_96 = tpu.memref_squeeze %dma_start3A_95 : memref<1x1x2x80xi32, #tpu.memory_space<hbm>> -> memref<2x80xi32, #tpu.memory_space<hbm>>
        %dma_start3A_97 = arith.constant 0 : i32
        %dma_start3A_98 = arith.constant 0 : i32
        %dma_start3A_99 = tpu.memref_slice %arg3[%add3A, %add3A_43, %dma_start3A_97, %dma_start3A_98] : memref<32x125x2x80xi32, #tpu.memory_space<hbm>> -> memref<1x1x2x80xi32, #tpu.memory_space<hbm>>
        %dma_start3A_100 = tpu.memref_squeeze %dma_start3A_99 : memref<1x1x2x80xi32, #tpu.memory_space<hbm>> -> memref<2x80xi32, #tpu.memory_space<hbm>>
        tpu.enqueue_dma source(%dma_start3A_100 : memref<2x80xi32, #tpu.memory_space<hbm>>) target(%arg8 : memref<2x80xi32, #tpu.memory_space<vmem>>) target_semaphore(%run_scoped3A_92 : memref<!tpu.dma_semaphore, #tpu.memory_space<semaphore_mem>>)
        %dma_wait3A_101 = arith.constant 0 : i32
        %dma_wait3A_102 = arith.constant 0 : i32
        %dma_wait3A_103 = tpu.memref_slice %arg3[%add3A, %add3A_43, %dma_wait3A_101, %dma_wait3A_102] : memref<32x125x2x80xi32, #tpu.memory_space<hbm>> -> memref<1x1x2x80xi32, #tpu.memory_space<hbm>>
        %dma_wait3A_104 = tpu.memref_squeeze %dma_wait3A_103 : memref<1x1x2x80xi32, #tpu.memory_space<hbm>> -> memref<2x80xi32, #tpu.memory_space<hbm>>
        %dma_wait3A_105 = arith.constant 0 : i32
        %dma_wait3A_106 = arith.constant 0 : i32
        %dma_wait3A_107 = tpu.memref_slice %arg3[%add3A, %add3A_43, %dma_wait3A_105, %dma_wait3A_106] : memref<32x125x2x80xi32, #tpu.memory_space<hbm>> -> memref<1x1x2x80xi32, #tpu.memory_space<hbm>>
        %dma_wait3A_108 = tpu.memref_squeeze %dma_wait3A_107 : memref<1x1x2x80xi32, #tpu.memory_space<hbm>> -> memref<2x80xi32, #tpu.memory_space<hbm>>
        tpu.wait_dma2 semaphore(%run_scoped3A_92 : memref<!tpu.dma_semaphore, #tpu.memory_space<semaphore_mem>>) src(%dma_wait3A_108 : memref<2x80xi32, #tpu.memory_space<hbm>>) dst(%arg8 : memref<2x80xi32, #tpu.memory_space<vmem>>)
        tpu.yield
      }) : () -> ()
      %dma_start3A_44 = arith.constant 0 : i32
      %dma_start3A_45 = arith.constant 0 : i32
      %dma_start3A_46 = tpu.memref_slice %arg8[%dma_start3A_44, %dma_start3A_45] : memref<2x80xi32, #tpu.memory_space<vmem>> -> memref<1x80xi32, #tpu.memory_space<vmem>>
      %dma_start3A_47 = tpu.memref_squeeze %dma_start3A_46 : memref<1x80xi32, #tpu.memory_space<vmem>> -> memref<80xi32, #tpu.memory_space<vmem>>
      %dma_start3A_48 = arith.constant 0 : i32
      %dma_start3A_49 = arith.constant 0 : i32
      %dma_start3A_50 = tpu.memref_slice %arg2[%dma_start3A_48, %dma_start3A_49] : memref<10000x128xf32, #tpu.memory_space<hbm>> -> memref<10000x128xf32, #tpu.memory_space<hbm>>
      tpu.enqueue_indirect_dma source(%dma_start3A_50 : memref<10000x128xf32, #tpu.memory_space<hbm>>) target(%arg11 : memref<80x128xf32, #tpu.memory_space<vmem>>) offsets(%dma_start3A_47 : memref<80xi32, #tpu.memory_space<vmem>>) semaphore(%arg14 : memref<!tpu.dma_semaphore, #tpu.memory_space<semaphore_mem>>)
      %dma_wait3A_51 = arith.constant 0 : i32
      %dma_wait3A_52 = arith.constant 0 : i32
      %dma_wait3A_53 = tpu.memref_slice %arg7[%dma_wait3A_51, %dma_wait3A_52] : memref<2x80xi32, #tpu.memory_space<vmem>> -> memref<1x80xi32, #tpu.memory_space<vmem>>
      %dma_wait3A_54 = tpu.memref_squeeze %dma_wait3A_53 : memref<1x80xi32, #tpu.memory_space<vmem>> -> memref<80xi32, #tpu.memory_space<vmem>>
      %dma_wait3A_55 = arith.constant 0 : i32
      %dma_wait3A_56 = arith.constant 0 : i32
      %dma_wait3A_57 = tpu.memref_slice %arg2[%dma_wait3A_55, %dma_wait3A_56] : memref<10000x128xf32, #tpu.memory_space<hbm>> -> memref<10000x128xf32, #tpu.memory_space<hbm>>
      tpu.wait_indirect_dma semaphore(%arg13 : memref<!tpu.dma_semaphore, #tpu.memory_space<semaphore_mem>>) src(%dma_wait3A_57 : memref<10000x128xf32, #tpu.memory_space<hbm>>) dst(%arg10 : memref<80x128xf32, #tpu.memory_space<vmem>>)
      %mul3A_58 = arith.constant 80 : i32
      %mul3A_59 = arith.muli %mul3A_41, %mul3A_58 : i32
      %add3A_60 = arith.constant 8 : i32
      %add3A_61 = arith.addi %mul3A_59, %add3A_60 : i32
      %parallel_loop3A_62 = arith.constant 0 : i32
      %parallel_loop3A_63 = arith.constant 80 : i32
      %parallel_loop3A_64 = arith.constant 1 : i32
      scf.for %parallel_loop3A_92 = %parallel_loop3A_62 to %parallel_loop3A_63 step %parallel_loop3A_64  : i32 {
        %parallel_loop3A_93 = arith.constant 0 : i32
        %parallel_loop3A_94 = vector.broadcast %parallel_loop3A_93 : i32 to vector<16xi32>
        %parallel_loop3A_95 = arith.addi %parallel_loop3A_92, %add3A_61 : i32
        %parallel_loop3A_96 = vector.broadcast %parallel_loop3A_95 : i32 to vector<16xi32>
        %parallel_loop3A_97 = arith.addi %parallel_loop3A_94, %parallel_loop3A_96 : vector<16xi32>
        %parallel_loop3A_98 = tpu.vector_load_idx %arg9[%parallel_loop3A_97] : memref<10008xf32, #tpu.memory_space<vmem>>[vector<16xi32>], vector<16xf32>,
        %parallel_loop3A_99 = arith.index_cast %parallel_loop3A_92 : i32 to index
        %parallel_loop3A_100 = arith.constant 0 : index
        %parallel_loop3A_101 = tpu.vector_load %arg10[%parallel_loop3A_99, %parallel_loop3A_100] {strides = array<i32>} : memref<80x128xf32, #tpu.memory_space<vmem>>, vector<16xf32>,
        %parallel_loop3A_102 = arith.mulf %parallel_loop3A_101, %parallel_loop3A_98 : vector<16xf32>
        %parallel_loop3A_103 = arith.index_cast %parallel_loop3A_92 : i32 to index
        %parallel_loop3A_104 = arith.constant 0 : index
        %parallel_loop3A_105 = tpu.vector_load %arg10[%parallel_loop3A_103, %parallel_loop3A_104] {strides = array<i32>} : memref<80x128xf32, #tpu.memory_space<vmem>>, vector<16xf32>,
        tpu.vector_store %arg10[%parallel_loop3A_103, %parallel_loop3A_104], %parallel_loop3A_102 {strides = array<i32>} : memref<80x128xf32, #tpu.memory_space<vmem>>, vector<16xf32>,
        %parallel_loop3A_106 = arith.index_cast %parallel_loop3A_92 : i32 to index
        %parallel_loop3A_107 = arith.constant 16 : index
        %parallel_loop3A_108 = tpu.vector_load %arg10[%parallel_loop3A_106, %parallel_loop3A_107] {strides = array<i32>} : memref<80x128xf32, #tpu.memory_space<vmem>>, vector<16xf32>,
        %parallel_loop3A_109 = arith.mulf %parallel_loop3A_108, %parallel_loop3A_98 : vector<16xf32>
        %parallel_loop3A_110 = arith.index_cast %parallel_loop3A_92 : i32 to index
        %parallel_loop3A_111 = arith.constant 16 : index
        %parallel_loop3A_112 = tpu.vector_load %arg10[%parallel_loop3A_110, %parallel_loop3A_111] {strides = array<i32>} : memref<80x128xf32, #tpu.memory_space<vmem>>, vector<16xf32>,
        tpu.vector_store %arg10[%parallel_loop3A_110, %parallel_loop3A_111], %parallel_loop3A_109 {strides = array<i32>} : memref<80x128xf32, #tpu.memory_space<vmem>>, vector<16xf32>,
        %parallel_loop3A_113 = arith.index_cast %parallel_loop3A_92 : i32 to index
        %parallel_loop3A_114 = arith.constant 32 : index
        %parallel_loop3A_115 = tpu.vector_load %arg10[%parallel_loop3A_113, %parallel_loop3A_114] {strides = array<i32>} : memref<80x128xf32, #tpu.memory_space<vmem>>, vector<16xf32>,
        %parallel_loop3A_116 = arith.mulf %parallel_loop3A_115, %parallel_loop3A_98 : vector<16xf32>
        %parallel_loop3A_117 = arith.index_cast %parallel_loop3A_92 : i32 to index
        %parallel_loop3A_118 = arith.constant 32 : index
        %parallel_loop3A_119 = tpu.vector_load %arg10[%parallel_loop3A_117, %parallel_loop3A_118] {strides = array<i32>} : memref<80x128xf32, #tpu.memory_space<vmem>>, vector<16xf32>,
        tpu.vector_store %arg10[%parallel_loop3A_117, %parallel_loop3A_118], %parallel_loop3A_116 {strides = array<i32>} : memref<80x128xf32, #tpu.memory_space<vmem>>, vector<16xf32>,
        %parallel_loop3A_120 = arith.index_cast %parallel_loop3A_92 : i32 to index
        %parallel_loop3A_121 = arith.constant 48 : index
        %parallel_loop3A_122 = tpu.vector_load %arg10[%parallel_loop3A_120, %parallel_loop3A_121] {strides = array<i32>} : memref<80x128xf32, #tpu.memory_space<vmem>>, vector<16xf32>,
        %parallel_loop3A_123 = arith.mulf %parallel_loop3A_122, %parallel_loop3A_98 : vector<16xf32>
        %parallel_loop3A_124 = arith.index_cast %parallel_loop3A_92 : i32 to index
        %parallel_loop3A_125 = arith.constant 48 : index
        %parallel_loop3A_126 = tpu.vector_load %arg10[%parallel_loop3A_124, %parallel_loop3A_125] {strides = array<i32>} : memref<80x128xf32, #tpu.memory_space<vmem>>, vector<16xf32>,
        tpu.vector_store %arg10[%parallel_loop3A_124, %parallel_loop3A_125], %parallel_loop3A_123 {strides = array<i32>} : memref<80x128xf32, #tpu.memory_space<vmem>>, vector<16xf32>,
        %parallel_loop3A_127 = arith.index_cast %parallel_loop3A_92 : i32 to index
        %parallel_loop3A_128 = arith.constant 64 : index
        %parallel_loop3A_129 = tpu.vector_load %arg10[%parallel_loop3A_127, %parallel_loop3A_128] {strides = array<i32>} : memref<80x128xf32, #tpu.memory_space<vmem>>, vector<16xf32>,
        %parallel_loop3A_130 = arith.mulf %parallel_loop3A_129, %parallel_loop3A_98 : vector<16xf32>
        %parallel_loop3A_131 = arith.index_cast %parallel_loop3A_92 : i32 to index
        %parallel_loop3A_132 = arith.constant 64 : index
        %parallel_loop3A_133 = tpu.vector_load %arg10[%parallel_loop3A_131, %parallel_loop3A_132] {strides = array<i32>} : memref<80x128xf32, #tpu.memory_space<vmem>>, vector<16xf32>,
        tpu.vector_store %arg10[%parallel_loop3A_131, %parallel_loop3A_132], %parallel_loop3A_130 {strides = array<i32>} : memref<80x128xf32, #tpu.memory_space<vmem>>, vector<16xf32>,
        %parallel_loop3A_134 = arith.index_cast %parallel_loop3A_92 : i32 to index
        %parallel_loop3A_135 = arith.constant 80 : index
        %parallel_loop3A_136 = tpu.vector_load %arg10[%parallel_loop3A_134, %parallel_loop3A_135] {strides = array<i32>} : memref<80x128xf32, #tpu.memory_space<vmem>>, vector<16xf32>,
        %parallel_loop3A_137 = arith.mulf %parallel_loop3A_136, %parallel_loop3A_98 : vector<16xf32>
        %parallel_loop3A_138 = arith.index_cast %parallel_loop3A_92 : i32 to index
        %parallel_loop3A_139 = arith.constant 80 : index
        %parallel_loop3A_140 = tpu.vector_load %arg10[%parallel_loop3A_138, %parallel_loop3A_139] {strides = array<i32>} : memref<80x128xf32, #tpu.memory_space<vmem>>, vector<16xf32>,
        tpu.vector_store %arg10[%parallel_loop3A_138, %parallel_loop3A_139], %parallel_loop3A_137 {strides = array<i32>} : memref<80x128xf32, #tpu.memory_space<vmem>>, vector<16xf32>,
        %parallel_loop3A_141 = arith.index_cast %parallel_loop3A_92 : i32 to index
        %parallel_loop3A_142 = arith.constant 96 : index
        %parallel_loop3A_143 = tpu.vector_load %arg10[%parallel_loop3A_141, %parallel_loop3A_142] {strides = array<i32>} : memref<80x128xf32, #tpu.memory_space<vmem>>, vector<16xf32>,
        %parallel_loop3A_144 = arith.mulf %parallel_loop3A_143, %parallel_loop3A_98 : vector<16xf32>
        %parallel_loop3A_145 = arith.index_cast %parallel_loop3A_92 : i32 to index
        %parallel_loop3A_146 = arith.constant 96 : index
        %parallel_loop3A_147 = tpu.vector_load %arg10[%parallel_loop3A_145, %parallel_loop3A_146] {strides = array<i32>} : memref<80x128xf32, #tpu.memory_space<vmem>>, vector<16xf32>,
        tpu.vector_store %arg10[%parallel_loop3A_145, %parallel_loop3A_146], %parallel_loop3A_144 {strides = array<i32>} : memref<80x128xf32, #tpu.memory_space<vmem>>, vector<16xf32>,
        %parallel_loop3A_148 = arith.index_cast %parallel_loop3A_92 : i32 to index
        %parallel_loop3A_149 = arith.constant 112 : index
        %parallel_loop3A_150 = tpu.vector_load %arg10[%parallel_loop3A_148, %parallel_loop3A_149] {strides = array<i32>} : memref<80x128xf32, #tpu.memory_space<vmem>>, vector<16xf32>,
        %parallel_loop3A_151 = arith.mulf %parallel_loop3A_150, %parallel_loop3A_98 : vector<16xf32>
        %parallel_loop3A_152 = arith.index_cast %parallel_loop3A_92 : i32 to index
        %parallel_loop3A_153 = arith.constant 112 : index
        %parallel_loop3A_154 = tpu.vector_load %arg10[%parallel_loop3A_152, %parallel_loop3A_153] {strides = array<i32>} : memref<80x128xf32, #tpu.memory_space<vmem>>, vector<16xf32>,
        tpu.vector_store %arg10[%parallel_loop3A_152, %parallel_loop3A_153], %parallel_loop3A_151 {strides = array<i32>} : memref<80x128xf32, #tpu.memory_space<vmem>>, vector<16xf32>,
      } {sc.loop_unroll_factor = 8 : i64, sc.parallel_access}
      %run_scoped3A_65 = arith.constant 1 : i32
      "tpu.region"() ({
        %run_scoped3A_92 = tpu.sem_alloc : memref<!tpu.dma_semaphore, #tpu.memory_space<semaphore_mem>>
        %dma_start3A_93 = arith.constant 0 : i32
        %dma_start3A_94 = tpu.memref_slice %arg7[%run_scoped3A_65, %dma_start3A_93] : memref<2x80xi32, #tpu.memory_space<vmem>> -> memref<1x80xi32, #tpu.memory_space<vmem>>
        %dma_start3A_95 = tpu.memref_squeeze %dma_start3A_94 : memref<1x80xi32, #tpu.memory_space<vmem>> -> memref<80xi32, #tpu.memory_space<vmem>>
        %dma_start3A_96 = arith.constant 0 : i32
        %dma_start3A_97 = arith.constant 0 : i32
        %dma_start3A_98 = tpu.memref_slice %arg12[%dma_start3A_96, %dma_start3A_97] : memref<10000x128xf32, #tpu.memory_space<vmem_shared>> -> memref<10000x128xf32, #tpu.memory_space<vmem_shared>>
        tpu.enqueue_indirect_dma source(%arg10 : memref<80x128xf32, #tpu.memory_space<vmem>>) target(%dma_start3A_98 : memref<10000x128xf32, #tpu.memory_space<vmem_shared>>) offsets(%dma_start3A_95 : memref<80xi32, #tpu.memory_space<vmem>>) semaphore(%run_scoped3A_92 : memref<!tpu.dma_semaphore, #tpu.memory_space<semaphore_mem>>) {add = true}
        %dma_wait3A_99 = arith.constant 0 : i32
        %dma_wait3A_100 = tpu.memref_slice %arg7[%run_scoped3A_65, %dma_wait3A_99] : memref<2x80xi32, #tpu.memory_space<vmem>> -> memref<1x80xi32, #tpu.memory_space<vmem>>
        %dma_wait3A_101 = tpu.memref_squeeze %dma_wait3A_100 : memref<1x80xi32, #tpu.memory_space<vmem>> -> memref<80xi32, #tpu.memory_space<vmem>>
        %dma_wait3A_102 = arith.constant 0 : i32
        %dma_wait3A_103 = arith.constant 0 : i32
        %dma_wait3A_104 = tpu.memref_slice %arg12[%dma_wait3A_102, %dma_wait3A_103] : memref<10000x128xf32, #tpu.memory_space<vmem_shared>> -> memref<10000x128xf32, #tpu.memory_space<vmem_shared>>
        tpu.wait_indirect_dma semaphore(%run_scoped3A_92 : memref<!tpu.dma_semaphore, #tpu.memory_space<semaphore_mem>>) src(%arg10 : memref<80x128xf32, #tpu.memory_space<vmem>>) dst(%dma_wait3A_104 : memref<10000x128xf32, #tpu.memory_space<vmem_shared>>)
        tpu.yield
      }) : () -> ()
      %add3A_66 = arith.constant 2 : i32
      %add3A_67 = arith.addi %mul3A_41, %add3A_66 : i32
      "tpu.region"() ({
        %run_scoped3A_92 = tpu.sem_alloc : memref<!tpu.dma_semaphore, #tpu.memory_space<semaphore_mem>>
        %dma_start3A_93 = arith.constant 0 : i32
        %dma_start3A_94 = arith.constant 0 : i32
        %dma_start3A_95 = tpu.memref_slice %arg3[%add3A, %add3A_67, %dma_start3A_93, %dma_start3A_94] : memref<32x125x2x80xi32, #tpu.memory_space<hbm>> -> memref<1x1x2x80xi32, #tpu.memory_space<hbm>>
        %dma_start3A_96 = tpu.memref_squeeze %dma_start3A_95 : memref<1x1x2x80xi32, #tpu.memory_space<hbm>> -> memref<2x80xi32, #tpu.memory_space<hbm>>
        %dma_start3A_97 = arith.constant 0 : i32
        %dma_start3A_98 = arith.constant 0 : i32
        %dma_start3A_99 = tpu.memref_slice %arg3[%add3A, %add3A_67, %dma_start3A_97, %dma_start3A_98] : memref<32x125x2x80xi32, #tpu.memory_space<hbm>> -> memref<1x1x2x80xi32, #tpu.memory_space<hbm>>
        %dma_start3A_100 = tpu.memref_squeeze %dma_start3A_99 : memref<1x1x2x80xi32, #tpu.memory_space<hbm>> -> memref<2x80xi32, #tpu.memory_space<hbm>>
        tpu.enqueue_dma source(%dma_start3A_100 : memref<2x80xi32, #tpu.memory_space<hbm>>) target(%arg7 : memref<2x80xi32, #tpu.memory_space<vmem>>) target_semaphore(%run_scoped3A_92 : memref<!tpu.dma_semaphore, #tpu.memory_space<semaphore_mem>>)
        %dma_wait3A_101 = arith.constant 0 : i32
        %dma_wait3A_102 = arith.constant 0 : i32
        %dma_wait3A_103 = tpu.memref_slice %arg3[%add3A, %add3A_67, %dma_wait3A_101, %dma_wait3A_102] : memref<32x125x2x80xi32, #tpu.memory_space<hbm>> -> memref<1x1x2x80xi32, #tpu.memory_space<hbm>>
        %dma_wait3A_104 = tpu.memref_squeeze %dma_wait3A_103 : memref<1x1x2x80xi32, #tpu.memory_space<hbm>> -> memref<2x80xi32, #tpu.memory_space<hbm>>
        %dma_wait3A_105 = arith.constant 0 : i32
        %dma_wait3A_106 = arith.constant 0 : i32
        %dma_wait3A_107 = tpu.memref_slice %arg3[%add3A, %add3A_67, %dma_wait3A_105, %dma_wait3A_106] : memref<32x125x2x80xi32, #tpu.memory_space<hbm>> -> memref<1x1x2x80xi32, #tpu.memory_space<hbm>>
        %dma_wait3A_108 = tpu.memref_squeeze %dma_wait3A_107 : memref<1x1x2x80xi32, #tpu.memory_space<hbm>> -> memref<2x80xi32, #tpu.memory_space<hbm>>
        tpu.wait_dma2 semaphore(%run_scoped3A_92 : memref<!tpu.dma_semaphore, #tpu.memory_space<semaphore_mem>>) src(%dma_wait3A_108 : memref<2x80xi32, #tpu.memory_space<hbm>>) dst(%arg7 : memref<2x80xi32, #tpu.memory_space<vmem>>)
        tpu.yield
      }) : () -> ()
      %dma_start3A_68 = arith.constant 0 : i32
      %dma_start3A_69 = arith.constant 0 : i32
      %dma_start3A_70 = tpu.memref_slice %arg7[%dma_start3A_68, %dma_start3A_69] : memref<2x80xi32, #tpu.memory_space<vmem>> -> memref<1x80xi32, #tpu.memory_space<vmem>>
      %dma_start3A_71 = tpu.memref_squeeze %dma_start3A_70 : memref<1x80xi32, #tpu.memory_space<vmem>> -> memref<80xi32, #tpu.memory_space<vmem>>
      %dma_start3A_72 = arith.constant 0 : i32
      %dma_start3A_73 = arith.constant 0 : i32
      %dma_start3A_74 = tpu.memref_slice %arg2[%dma_start3A_72, %dma_start3A_73] : memref<10000x128xf32, #tpu.memory_space<hbm>> -> memref<10000x128xf32, #tpu.memory_space<hbm>>
      tpu.enqueue_indirect_dma source(%dma_start3A_74 : memref<10000x128xf32, #tpu.memory_space<hbm>>) target(%arg10 : memref<80x128xf32, #tpu.memory_space<vmem>>) offsets(%dma_start3A_71 : memref<80xi32, #tpu.memory_space<vmem>>) semaphore(%arg13 : memref<!tpu.dma_semaphore, #tpu.memory_space<semaphore_mem>>)
      %dma_wait3A_75 = arith.constant 0 : i32
      %dma_wait3A_76 = arith.constant 0 : i32
      %dma_wait3A_77 = tpu.memref_slice %arg8[%dma_wait3A_75, %dma_wait3A_76] : memref<2x80xi32, #tpu.memory_space<vmem>> -> memref<1x80xi32, #tpu.memory_space<vmem>>
      %dma_wait3A_78 = tpu.memref_squeeze %dma_wait3A_77 : memref<1x80xi32, #tpu.memory_space<vmem>> -> memref<80xi32, #tpu.memory_space<vmem>>
      %dma_wait3A_79 = arith.constant 0 : i32
      %dma_wait3A_80 = arith.constant 0 : i32
      %dma_wait3A_81 = tpu.memref_slice %arg2[%dma_wait3A_79, %dma_wait3A_80] : memref<10000x128xf32, #tpu.memory_space<hbm>> -> memref<10000x128xf32, #tpu.memory_space<hbm>>
      tpu.wait_indirect_dma semaphore(%arg14 : memref<!tpu.dma_semaphore, #tpu.memory_space<semaphore_mem>>) src(%dma_wait3A_81 : memref<10000x128xf32, #tpu.memory_space<hbm>>) dst(%arg11 : memref<80x128xf32, #tpu.memory_space<vmem>>)
      %add3A_82 = arith.constant 1 : i32
      %add3A_83 = arith.addi %mul3A_41, %add3A_82 : i32
      %mul3A_84 = arith.constant 80 : i32
      %mul3A_85 = arith.muli %add3A_83, %mul3A_84 : i32
      %add3A_86 = arith.constant 8 : i32
      %add3A_87 = arith.addi %mul3A_85, %add3A_86 : i32
      %parallel_loop3A_88 = arith.constant 0 : i32
      %parallel_loop3A_89 = arith.constant 80 : i32
      %parallel_loop3A_90 = arith.constant 1 : i32
      scf.for %parallel_loop3A_92 = %parallel_loop3A_88 to %parallel_loop3A_89 step %parallel_loop3A_90  : i32 {
        %parallel_loop3A_93 = arith.constant 0 : i32
        %parallel_loop3A_94 = vector.broadcast %parallel_loop3A_93 : i32 to vector<16xi32>
        %parallel_loop3A_95 = arith.addi %parallel_loop3A_92, %add3A_87 : i32
        %parallel_loop3A_96 = vector.broadcast %parallel_loop3A_95 : i32 to vector<16xi32>
        %parallel_loop3A_97 = arith.addi %parallel_loop3A_94, %parallel_loop3A_96 : vector<16xi32>
        %parallel_loop3A_98 = tpu.vector_load_idx %arg9[%parallel_loop3A_97] : memref<10008xf32, #tpu.memory_space<vmem>>[vector<16xi32>], vector<16xf32>,
        %parallel_loop3A_99 = arith.index_cast %parallel_loop3A_92 : i32 to index
        %parallel_loop3A_100 = arith.constant 0 : index
        %parallel_loop3A_101 = tpu.vector_load %arg11[%parallel_loop3A_99, %parallel_loop3A_100] {strides = array<i32>} : memref<80x128xf32, #tpu.memory_space<vmem>>, vector<16xf32>,
        %parallel_loop3A_102 = arith.mulf %parallel_loop3A_101, %parallel_loop3A_98 : vector<16xf32>
        %parallel_loop3A_103 = arith.index_cast %parallel_loop3A_92 : i32 to index
        %parallel_loop3A_104 = arith.constant 0 : index
        %parallel_loop3A_105 = tpu.vector_load %arg11[%parallel_loop3A_103, %parallel_loop3A_104] {strides = array<i32>} : memref<80x128xf32, #tpu.memory_space<vmem>>, vector<16xf32>,
        tpu.vector_store %arg11[%parallel_loop3A_103, %parallel_loop3A_104], %parallel_loop3A_102 {strides = array<i32>} : memref<80x128xf32, #tpu.memory_space<vmem>>, vector<16xf32>,
        %parallel_loop3A_106 = arith.index_cast %parallel_loop3A_92 : i32 to index
        %parallel_loop3A_107 = arith.constant 16 : index
        %parallel_loop3A_108 = tpu.vector_load %arg11[%parallel_loop3A_106, %parallel_loop3A_107] {strides = array<i32>} : memref<80x128xf32, #tpu.memory_space<vmem>>, vector<16xf32>,
        %parallel_loop3A_109 = arith.mulf %parallel_loop3A_108, %parallel_loop3A_98 : vector<16xf32>
        %parallel_loop3A_110 = arith.index_cast %parallel_loop3A_92 : i32 to index
        %parallel_loop3A_111 = arith.constant 16 : index
        %parallel_loop3A_112 = tpu.vector_load %arg11[%parallel_loop3A_110, %parallel_loop3A_111] {strides = array<i32>} : memref<80x128xf32, #tpu.memory_space<vmem>>, vector<16xf32>,
        tpu.vector_store %arg11[%parallel_loop3A_110, %parallel_loop3A_111], %parallel_loop3A_109 {strides = array<i32>} : memref<80x128xf32, #tpu.memory_space<vmem>>, vector<16xf32>,
        %parallel_loop3A_113 = arith.index_cast %parallel_loop3A_92 : i32 to index
        %parallel_loop3A_114 = arith.constant 32 : index
        %parallel_loop3A_115 = tpu.vector_load %arg11[%parallel_loop3A_113, %parallel_loop3A_114] {strides = array<i32>} : memref<80x128xf32, #tpu.memory_space<vmem>>, vector<16xf32>,
        %parallel_loop3A_116 = arith.mulf %parallel_loop3A_115, %parallel_loop3A_98 : vector<16xf32>
        %parallel_loop3A_117 = arith.index_cast %parallel_loop3A_92 : i32 to index
        %parallel_loop3A_118 = arith.constant 32 : index
        %parallel_loop3A_119 = tpu.vector_load %arg11[%parallel_loop3A_117, %parallel_loop3A_118] {strides = array<i32>} : memref<80x128xf32, #tpu.memory_space<vmem>>, vector<16xf32>,
        tpu.vector_store %arg11[%parallel_loop3A_117, %parallel_loop3A_118], %parallel_loop3A_116 {strides = array<i32>} : memref<80x128xf32, #tpu.memory_space<vmem>>, vector<16xf32>,
        %parallel_loop3A_120 = arith.index_cast %parallel_loop3A_92 : i32 to index
        %parallel_loop3A_121 = arith.constant 48 : index
        %parallel_loop3A_122 = tpu.vector_load %arg11[%parallel_loop3A_120, %parallel_loop3A_121] {strides = array<i32>} : memref<80x128xf32, #tpu.memory_space<vmem>>, vector<16xf32>,
        %parallel_loop3A_123 = arith.mulf %parallel_loop3A_122, %parallel_loop3A_98 : vector<16xf32>
        %parallel_loop3A_124 = arith.index_cast %parallel_loop3A_92 : i32 to index
        %parallel_loop3A_125 = arith.constant 48 : index
        %parallel_loop3A_126 = tpu.vector_load %arg11[%parallel_loop3A_124, %parallel_loop3A_125] {strides = array<i32>} : memref<80x128xf32, #tpu.memory_space<vmem>>, vector<16xf32>,
        tpu.vector_store %arg11[%parallel_loop3A_124, %parallel_loop3A_125], %parallel_loop3A_123 {strides = array<i32>} : memref<80x128xf32, #tpu.memory_space<vmem>>, vector<16xf32>,
        %parallel_loop3A_127 = arith.index_cast %parallel_loop3A_92 : i32 to index
        %parallel_loop3A_128 = arith.constant 64 : index
        %parallel_loop3A_129 = tpu.vector_load %arg11[%parallel_loop3A_127, %parallel_loop3A_128] {strides = array<i32>} : memref<80x128xf32, #tpu.memory_space<vmem>>, vector<16xf32>,
        %parallel_loop3A_130 = arith.mulf %parallel_loop3A_129, %parallel_loop3A_98 : vector<16xf32>
        %parallel_loop3A_131 = arith.index_cast %parallel_loop3A_92 : i32 to index
        %parallel_loop3A_132 = arith.constant 64 : index
        %parallel_loop3A_133 = tpu.vector_load %arg11[%parallel_loop3A_131, %parallel_loop3A_132] {strides = array<i32>} : memref<80x128xf32, #tpu.memory_space<vmem>>, vector<16xf32>,
        tpu.vector_store %arg11[%parallel_loop3A_131, %parallel_loop3A_132], %parallel_loop3A_130 {strides = array<i32>} : memref<80x128xf32, #tpu.memory_space<vmem>>, vector<16xf32>,
        %parallel_loop3A_134 = arith.index_cast %parallel_loop3A_92 : i32 to index
        %parallel_loop3A_135 = arith.constant 80 : index
        %parallel_loop3A_136 = tpu.vector_load %arg11[%parallel_loop3A_134, %parallel_loop3A_135] {strides = array<i32>} : memref<80x128xf32, #tpu.memory_space<vmem>>, vector<16xf32>,
        %parallel_loop3A_137 = arith.mulf %parallel_loop3A_136, %parallel_loop3A_98 : vector<16xf32>
        %parallel_loop3A_138 = arith.index_cast %parallel_loop3A_92 : i32 to index
        %parallel_loop3A_139 = arith.constant 80 : index
        %parallel_loop3A_140 = tpu.vector_load %arg11[%parallel_loop3A_138, %parallel_loop3A_139] {strides = array<i32>} : memref<80x128xf32, #tpu.memory_space<vmem>>, vector<16xf32>,
        tpu.vector_store %arg11[%parallel_loop3A_138, %parallel_loop3A_139], %parallel_loop3A_137 {strides = array<i32>} : memref<80x128xf32, #tpu.memory_space<vmem>>, vector<16xf32>,
        %parallel_loop3A_141 = arith.index_cast %parallel_loop3A_92 : i32 to index
        %parallel_loop3A_142 = arith.constant 96 : index
        %parallel_loop3A_143 = tpu.vector_load %arg11[%parallel_loop3A_141, %parallel_loop3A_142] {strides = array<i32>} : memref<80x128xf32, #tpu.memory_space<vmem>>, vector<16xf32>,
        %parallel_loop3A_144 = arith.mulf %parallel_loop3A_143, %parallel_loop3A_98 : vector<16xf32>
        %parallel_loop3A_145 = arith.index_cast %parallel_loop3A_92 : i32 to index
        %parallel_loop3A_146 = arith.constant 96 : index
        %parallel_loop3A_147 = tpu.vector_load %arg11[%parallel_loop3A_145, %parallel_loop3A_146] {strides = array<i32>} : memref<80x128xf32, #tpu.memory_space<vmem>>, vector<16xf32>,
        tpu.vector_store %arg11[%parallel_loop3A_145, %parallel_loop3A_146], %parallel_loop3A_144 {strides = array<i32>} : memref<80x128xf32, #tpu.memory_space<vmem>>, vector<16xf32>,
        %parallel_loop3A_148 = arith.index_cast %parallel_loop3A_92 : i32 to index
        %parallel_loop3A_149 = arith.constant 112 : index
        %parallel_loop3A_150 = tpu.vector_load %arg11[%parallel_loop3A_148, %parallel_loop3A_149] {strides = array<i32>} : memref<80x128xf32, #tpu.memory_space<vmem>>, vector<16xf32>,
        %parallel_loop3A_151 = arith.mulf %parallel_loop3A_150, %parallel_loop3A_98 : vector<16xf32>
        %parallel_loop3A_152 = arith.index_cast %parallel_loop3A_92 : i32 to index
        %parallel_loop3A_153 = arith.constant 112 : index
        %parallel_loop3A_154 = tpu.vector_load %arg11[%parallel_loop3A_152, %parallel_loop3A_153] {strides = array<i32>} : memref<80x128xf32, #tpu.memory_space<vmem>>, vector<16xf32>,
        tpu.vector_store %arg11[%parallel_loop3A_152, %parallel_loop3A_153], %parallel_loop3A_151 {strides = array<i32>} : memref<80x128xf32, #tpu.memory_space<vmem>>, vector<16xf32>,
      } {sc.loop_unroll_factor = 8 : i64, sc.parallel_access}
      %run_scoped3A_91 = arith.constant 1 : i32
      "tpu.region"() ({
        %run_scoped3A_92 = tpu.sem_alloc : memref<!tpu.dma_semaphore, #tpu.memory_space<semaphore_mem>>
        %dma_start3A_93 = arith.constant 0 : i32
        %dma_start3A_94 = tpu.memref_slice %arg8[%run_scoped3A_91, %dma_start3A_93] : memref<2x80xi32, #tpu.memory_space<vmem>> -> memref<1x80xi32, #tpu.memory_space<vmem>>
        %dma_start3A_95 = tpu.memref_squeeze %dma_start3A_94 : memref<1x80xi32, #tpu.memory_space<vmem>> -> memref<80xi32, #tpu.memory_space<vmem>>
        %dma_start3A_96 = arith.constant 0 : i32
        %dma_start3A_97 = arith.constant 0 : i32
        %dma_start3A_98 = tpu.memref_slice %arg12[%dma_start3A_96, %dma_start3A_97] : memref<10000x128xf32, #tpu.memory_space<vmem_shared>> -> memref<10000x128xf32, #tpu.memory_space<vmem_shared>>
        tpu.enqueue_indirect_dma source(%arg11 : memref<80x128xf32, #tpu.memory_space<vmem>>) target(%dma_start3A_98 : memref<10000x128xf32, #tpu.memory_space<vmem_shared>>) offsets(%dma_start3A_95 : memref<80xi32, #tpu.memory_space<vmem>>) semaphore(%run_scoped3A_92 : memref<!tpu.dma_semaphore, #tpu.memory_space<semaphore_mem>>) {add = true}
        %dma_wait3A_99 = arith.constant 0 : i32
        %dma_wait3A_100 = tpu.memref_slice %arg8[%run_scoped3A_91, %dma_wait3A_99] : memref<2x80xi32, #tpu.memory_space<vmem>> -> memref<1x80xi32, #tpu.memory_space<vmem>>
        %dma_wait3A_101 = tpu.memref_squeeze %dma_wait3A_100 : memref<1x80xi32, #tpu.memory_space<vmem>> -> memref<80xi32, #tpu.memory_space<vmem>>
        %dma_wait3A_102 = arith.constant 0 : i32
        %dma_wait3A_103 = arith.constant 0 : i32
        %dma_wait3A_104 = tpu.memref_slice %arg12[%dma_wait3A_102, %dma_wait3A_103] : memref<10000x128xf32, #tpu.memory_space<vmem_shared>> -> memref<10000x128xf32, #tpu.memory_space<vmem_shared>>
        tpu.wait_indirect_dma semaphore(%run_scoped3A_92 : memref<!tpu.dma_semaphore, #tpu.memory_space<semaphore_mem>>) src(%arg11 : memref<80x128xf32, #tpu.memory_space<vmem>>) dst(%dma_wait3A_104 : memref<10000x128xf32, #tpu.memory_space<vmem_shared>>)
        tpu.yield
      }) : () -> ()
    }
    %scan3A_19 = arith.constant 62 : i32
    %dma_wait3A = arith.constant 0 : i32
    %dma_wait3A_20 = arith.constant 0 : i32
    %dma_wait3A_21 = tpu.memref_slice %arg7[%dma_wait3A, %dma_wait3A_20] : memref<2x80xi32, #tpu.memory_space<vmem>> -> memref<1x80xi32, #tpu.memory_space<vmem>>
    %dma_wait3A_22 = tpu.memref_squeeze %dma_wait3A_21 : memref<1x80xi32, #tpu.memory_space<vmem>> -> memref<80xi32, #tpu.memory_space<vmem>>
    %dma_wait3A_23 = arith.constant 0 : i32
    %dma_wait3A_24 = arith.constant 0 : i32
    %dma_wait3A_25 = tpu.memref_slice %arg2[%dma_wait3A_23, %dma_wait3A_24] : memref<10000x128xf32, #tpu.memory_space<hbm>> -> memref<10000x128xf32, #tpu.memory_space<hbm>>
    tpu.wait_indirect_dma semaphore(%arg13 : memref<!tpu.dma_semaphore, #tpu.memory_space<semaphore_mem>>) src(%dma_wait3A_25 : memref<10000x128xf32, #tpu.memory_space<hbm>>) dst(%arg10 : memref<80x128xf32, #tpu.memory_space<vmem>>)
    %parallel_loop3A = arith.constant 0 : i32
    %parallel_loop3A_26 = arith.constant 80 : i32
    %parallel_loop3A_27 = arith.constant 1 : i32
    scf.for %parallel_loop3A_39 = %parallel_loop3A to %parallel_loop3A_26 step %parallel_loop3A_27  : i32 {
      %parallel_loop3A_40 = arith.constant 0 : i32
      %parallel_loop3A_41 = vector.broadcast %parallel_loop3A_40 : i32 to vector<16xi32>
      %parallel_loop3A_42 = arith.constant 9928 : i32
      %parallel_loop3A_43 = arith.addi %parallel_loop3A_39, %parallel_loop3A_42 : i32
      %parallel_loop3A_44 = vector.broadcast %parallel_loop3A_43 : i32 to vector<16xi32>
      %parallel_loop3A_45 = arith.addi %parallel_loop3A_41, %parallel_loop3A_44 : vector<16xi32>
      %parallel_loop3A_46 = tpu.vector_load_idx %arg9[%parallel_loop3A_45] : memref<10008xf32, #tpu.memory_space<vmem>>[vector<16xi32>], vector<16xf32>,
      %parallel_loop3A_47 = arith.index_cast %parallel_loop3A_39 : i32 to index
      %parallel_loop3A_48 = arith.constant 0 : index
      %parallel_loop3A_49 = tpu.vector_load %arg10[%parallel_loop3A_47, %parallel_loop3A_48] {strides = array<i32>} : memref<80x128xf32, #tpu.memory_space<vmem>>, vector<16xf32>,
      %parallel_loop3A_50 = arith.mulf %parallel_loop3A_49, %parallel_loop3A_46 : vector<16xf32>
      %parallel_loop3A_51 = arith.index_cast %parallel_loop3A_39 : i32 to index
      %parallel_loop3A_52 = arith.constant 0 : index
      %parallel_loop3A_53 = tpu.vector_load %arg10[%parallel_loop3A_51, %parallel_loop3A_52] {strides = array<i32>} : memref<80x128xf32, #tpu.memory_space<vmem>>, vector<16xf32>,
      tpu.vector_store %arg10[%parallel_loop3A_51, %parallel_loop3A_52], %parallel_loop3A_50 {strides = array<i32>} : memref<80x128xf32, #tpu.memory_space<vmem>>, vector<16xf32>,
      %parallel_loop3A_54 = arith.index_cast %parallel_loop3A_39 : i32 to index
      %parallel_loop3A_55 = arith.constant 16 : index
      %parallel_loop3A_56 = tpu.vector_load %arg10[%parallel_loop3A_54, %parallel_loop3A_55] {strides = array<i32>} : memref<80x128xf32, #tpu.memory_space<vmem>>, vector<16xf32>,
      %parallel_loop3A_57 = arith.mulf %parallel_loop3A_56, %parallel_loop3A_46 : vector<16xf32>
      %parallel_loop3A_58 = arith.index_cast %parallel_loop3A_39 : i32 to index
      %parallel_loop3A_59 = arith.constant 16 : index
      %parallel_loop3A_60 = tpu.vector_load %arg10[%parallel_loop3A_58, %parallel_loop3A_59] {strides = array<i32>} : memref<80x128xf32, #tpu.memory_space<vmem>>, vector<16xf32>,
      tpu.vector_store %arg10[%parallel_loop3A_58, %parallel_loop3A_59], %parallel_loop3A_57 {strides = array<i32>} : memref<80x128xf32, #tpu.memory_space<vmem>>, vector<16xf32>,
      %parallel_loop3A_61 = arith.index_cast %parallel_loop3A_39 : i32 to index
      %parallel_loop3A_62 = arith.constant 32 : index
      %parallel_loop3A_63 = tpu.vector_load %arg10[%parallel_loop3A_61, %parallel_loop3A_62] {strides = array<i32>} : memref<80x128xf32, #tpu.memory_space<vmem>>, vector<16xf32>,
      %parallel_loop3A_64 = arith.mulf %parallel_loop3A_63, %parallel_loop3A_46 : vector<16xf32>
      %parallel_loop3A_65 = arith.index_cast %parallel_loop3A_39 : i32 to index
      %parallel_loop3A_66 = arith.constant 32 : index
      %parallel_loop3A_67 = tpu.vector_load %arg10[%parallel_loop3A_65, %parallel_loop3A_66] {strides = array<i32>} : memref<80x128xf32, #tpu.memory_space<vmem>>, vector<16xf32>,
      tpu.vector_store %arg10[%parallel_loop3A_65, %parallel_loop3A_66], %parallel_loop3A_64 {strides = array<i32>} : memref<80x128xf32, #tpu.memory_space<vmem>>, vector<16xf32>,
      %parallel_loop3A_68 = arith.index_cast %parallel_loop3A_39 : i32 to index
      %parallel_loop3A_69 = arith.constant 48 : index
      %parallel_loop3A_70 = tpu.vector_load %arg10[%parallel_loop3A_68, %parallel_loop3A_69] {strides = array<i32>} : memref<80x128xf32, #tpu.memory_space<vmem>>, vector<16xf32>,
      %parallel_loop3A_71 = arith.mulf %parallel_loop3A_70, %parallel_loop3A_46 : vector<16xf32>
      %parallel_loop3A_72 = arith.index_cast %parallel_loop3A_39 : i32 to index
      %parallel_loop3A_73 = arith.constant 48 : index
      %parallel_loop3A_74 = tpu.vector_load %arg10[%parallel_loop3A_72, %parallel_loop3A_73] {strides = array<i32>} : memref<80x128xf32, #tpu.memory_space<vmem>>, vector<16xf32>,
      tpu.vector_store %arg10[%parallel_loop3A_72, %parallel_loop3A_73], %parallel_loop3A_71 {strides = array<i32>} : memref<80x128xf32, #tpu.memory_space<vmem>>, vector<16xf32>,
      %parallel_loop3A_75 = arith.index_cast %parallel_loop3A_39 : i32 to index
      %parallel_loop3A_76 = arith.constant 64 : index
      %parallel_loop3A_77 = tpu.vector_load %arg10[%parallel_loop3A_75, %parallel_loop3A_76] {strides = array<i32>} : memref<80x128xf32, #tpu.memory_space<vmem>>, vector<16xf32>,
      %parallel_loop3A_78 = arith.mulf %parallel_loop3A_77, %parallel_loop3A_46 : vector<16xf32>
      %parallel_loop3A_79 = arith.index_cast %parallel_loop3A_39 : i32 to index
      %parallel_loop3A_80 = arith.constant 64 : index
      %parallel_loop3A_81 = tpu.vector_load %arg10[%parallel_loop3A_79, %parallel_loop3A_80] {strides = array<i32>} : memref<80x128xf32, #tpu.memory_space<vmem>>, vector<16xf32>,
      tpu.vector_store %arg10[%parallel_loop3A_79, %parallel_loop3A_80], %parallel_loop3A_78 {strides = array<i32>} : memref<80x128xf32, #tpu.memory_space<vmem>>, vector<16xf32>,
      %parallel_loop3A_82 = arith.index_cast %parallel_loop3A_39 : i32 to index
      %parallel_loop3A_83 = arith.constant 80 : index
      %parallel_loop3A_84 = tpu.vector_load %arg10[%parallel_loop3A_82, %parallel_loop3A_83] {strides = array<i32>} : memref<80x128xf32, #tpu.memory_space<vmem>>, vector<16xf32>,
      %parallel_loop3A_85 = arith.mulf %parallel_loop3A_84, %parallel_loop3A_46 : vector<16xf32>
      %parallel_loop3A_86 = arith.index_cast %parallel_loop3A_39 : i32 to index
      %parallel_loop3A_87 = arith.constant 80 : index
      %parallel_loop3A_88 = tpu.vector_load %arg10[%parallel_loop3A_86, %parallel_loop3A_87] {strides = array<i32>} : memref<80x128xf32, #tpu.memory_space<vmem>>, vector<16xf32>,
      tpu.vector_store %arg10[%parallel_loop3A_86, %parallel_loop3A_87], %parallel_loop3A_85 {strides = array<i32>} : memref<80x128xf32, #tpu.memory_space<vmem>>, vector<16xf32>,
      %parallel_loop3A_89 = arith.index_cast %parallel_loop3A_39 : i32 to index
      %parallel_loop3A_90 = arith.constant 96 : index
      %parallel_loop3A_91 = tpu.vector_load %arg10[%parallel_loop3A_89, %parallel_loop3A_90] {strides = array<i32>} : memref<80x128xf32, #tpu.memory_space<vmem>>, vector<16xf32>,
      %parallel_loop3A_92 = arith.mulf %parallel_loop3A_91, %parallel_loop3A_46 : vector<16xf32>
      %parallel_loop3A_93 = arith.index_cast %parallel_loop3A_39 : i32 to index
      %parallel_loop3A_94 = arith.constant 96 : index
      %parallel_loop3A_95 = tpu.vector_load %arg10[%parallel_loop3A_93, %parallel_loop3A_94] {strides = array<i32>} : memref<80x128xf32, #tpu.memory_space<vmem>>, vector<16xf32>,
      tpu.vector_store %arg10[%parallel_loop3A_93, %parallel_loop3A_94], %parallel_loop3A_92 {strides = array<i32>} : memref<80x128xf32, #tpu.memory_space<vmem>>, vector<16xf32>,
      %parallel_loop3A_96 = arith.index_cast %parallel_loop3A_39 : i32 to index
      %parallel_loop3A_97 = arith.constant 112 : index
      %parallel_loop3A_98 = tpu.vector_load %arg10[%parallel_loop3A_96, %parallel_loop3A_97] {strides = array<i32>} : memref<80x128xf32, #tpu.memory_space<vmem>>, vector<16xf32>,
      %parallel_loop3A_99 = arith.mulf %parallel_loop3A_98, %parallel_loop3A_46 : vector<16xf32>
      %parallel_loop3A_100 = arith.index_cast %parallel_loop3A_39 : i32 to index
      %parallel_loop3A_101 = arith.constant 112 : index
      %parallel_loop3A_102 = tpu.vector_load %arg10[%parallel_loop3A_100, %parallel_loop3A_101] {strides = array<i32>} : memref<80x128xf32, #tpu.memory_space<vmem>>, vector<16xf32>,
      tpu.vector_store %arg10[%parallel_loop3A_100, %parallel_loop3A_101], %parallel_loop3A_99 {strides = array<i32>} : memref<80x128xf32, #tpu.memory_space<vmem>>, vector<16xf32>,
    } {sc.loop_unroll_factor = 8 : i64, sc.parallel_access}
    %run_scoped3A_28 = arith.constant 1 : i32
    "tpu.region"() ({
      %run_scoped3A_39 = tpu.sem_alloc : memref<!tpu.dma_semaphore, #tpu.memory_space<semaphore_mem>>
      %dma_start3A_40 = arith.constant 0 : i32
      %dma_start3A_41 = tpu.memref_slice %arg7[%run_scoped3A_28, %dma_start3A_40] : memref<2x80xi32, #tpu.memory_space<vmem>> -> memref<1x80xi32, #tpu.memory_space<vmem>>
      %dma_start3A_42 = tpu.memref_squeeze %dma_start3A_41 : memref<1x80xi32, #tpu.memory_space<vmem>> -> memref<80xi32, #tpu.memory_space<vmem>>
      %dma_start3A_43 = arith.constant 0 : i32
      %dma_start3A_44 = arith.constant 0 : i32
      %dma_start3A_45 = tpu.memref_slice %arg12[%dma_start3A_43, %dma_start3A_44] : memref<10000x128xf32, #tpu.memory_space<vmem_shared>> -> memref<10000x128xf32, #tpu.memory_space<vmem_shared>>
      tpu.enqueue_indirect_dma source(%arg10 : memref<80x128xf32, #tpu.memory_space<vmem>>) target(%dma_start3A_45 : memref<10000x128xf32, #tpu.memory_space<vmem_shared>>) offsets(%dma_start3A_42 : memref<80xi32, #tpu.memory_space<vmem>>) semaphore(%run_scoped3A_39 : memref<!tpu.dma_semaphore, #tpu.memory_space<semaphore_mem>>) {add = true}
      %dma_wait3A_46 = arith.constant 0 : i32
      %dma_wait3A_47 = tpu.memref_slice %arg7[%run_scoped3A_28, %dma_wait3A_46] : memref<2x80xi32, #tpu.memory_space<vmem>> -> memref<1x80xi32, #tpu.memory_space<vmem>>
      %dma_wait3A_48 = tpu.memref_squeeze %dma_wait3A_47 : memref<1x80xi32, #tpu.memory_space<vmem>> -> memref<80xi32, #tpu.memory_space<vmem>>
      %dma_wait3A_49 = arith.constant 0 : i32
      %dma_wait3A_50 = arith.constant 0 : i32
      %dma_wait3A_51 = tpu.memref_slice %arg12[%dma_wait3A_49, %dma_wait3A_50] : memref<10000x128xf32, #tpu.memory_space<vmem_shared>> -> memref<10000x128xf32, #tpu.memory_space<vmem_shared>>
      tpu.wait_indirect_dma semaphore(%run_scoped3A_39 : memref<!tpu.dma_semaphore, #tpu.memory_space<semaphore_mem>>) src(%arg10 : memref<80x128xf32, #tpu.memory_space<vmem>>) dst(%dma_wait3A_51 : memref<10000x128xf32, #tpu.memory_space<vmem_shared>>)
      tpu.yield
    }) : () -> ()
    %barrier3A_29 = arith.constant 0 : index
    tpu.barrier barrier_id(%barrier3A_29)
    %mul3A_30 = arith.constant 624 : i32
    %mul3A_31 = arith.muli %arg1, %mul3A_30 : i32
    %mul3A_32 = arith.constant 624 : i32
    %mul3A_33 = arith.muli %arg1, %mul3A_32 : i32
    "tpu.region"() ({
      %run_scoped3A_39 = tpu.sem_alloc : memref<!tpu.dma_semaphore, #tpu.memory_space<semaphore_mem>>
      %dma_start3A_40 = arith.constant 0 : i32
      %dma_start3A_41 = tpu.memref_slice %arg6[%arg0, %mul3A_33, %dma_start3A_40] : memref<2x10000x128xf32, #tpu.memory_space<hbm>> -> memref<1x624x128xf32, #tpu.memory_space<hbm>>
      %dma_start3A_42 = tpu.memref_squeeze %dma_start3A_41 : memref<1x624x128xf32, #tpu.memory_space<hbm>> -> memref<624x128xf32, #tpu.memory_space<hbm>>
      %dma_start3A_43 = arith.constant 0 : i32
      %dma_start3A_44 = tpu.memref_slice %arg12[%mul3A_31, %dma_start3A_43] : memref<10000x128xf32, #tpu.memory_space<vmem_shared>> -> memref<624x128xf32, #tpu.memory_space<vmem_shared>>
      tpu.enqueue_dma source(%dma_start3A_44 : memref<624x128xf32, #tpu.memory_space<vmem_shared>>) target(%dma_start3A_42 : memref<624x128xf32, #tpu.memory_space<hbm>>) target_semaphore(%run_scoped3A_39 : memref<!tpu.dma_semaphore, #tpu.memory_space<semaphore_mem>>)
      %dma_wait3A_45 = arith.constant 0 : i32
      %dma_wait3A_46 = tpu.memref_slice %arg6[%arg0, %mul3A_33, %dma_wait3A_45] : memref<2x10000x128xf32, #tpu.memory_space<hbm>> -> memref<1x624x128xf32, #tpu.memory_space<hbm>>
      %dma_wait3A_47 = tpu.memref_squeeze %dma_wait3A_46 : memref<1x624x128xf32, #tpu.memory_space<hbm>> -> memref<624x128xf32, #tpu.memory_space<hbm>>
      %dma_wait3A_48 = arith.constant 0 : i32
      %dma_wait3A_49 = tpu.memref_slice %arg12[%mul3A_31, %dma_wait3A_48] : memref<10000x128xf32, #tpu.memory_space<vmem_shared>> -> memref<624x128xf32, #tpu.memory_space<vmem_shared>>
      tpu.wait_dma2 semaphore(%run_scoped3A_39 : memref<!tpu.dma_semaphore, #tpu.memory_space<semaphore_mem>>) src(%dma_wait3A_49 : memref<624x128xf32, #tpu.memory_space<vmem_shared>>) dst(%dma_wait3A_47 : memref<624x128xf32, #tpu.memory_space<hbm>>)
      tpu.yield
    }) : () -> ()
    %eq3A_34 = arith.constant 15 : i32
    %eq3A_35 = arith.cmpi eq, %arg1, %eq3A_34 : i32
    %convert_element_type3A_36 = arith.extui %eq3A_35 : i1 to i32
    %cond3A_37 = arith.constant 0 : i32
    %cond3A_38 = arith.cmpi ne, %convert_element_type3A_36, %cond3A_37 : i32
    scf.if %cond3A_38 {
      "tpu.region"() ({
        %run_scoped3A_39 = tpu.sem_alloc : memref<!tpu.dma_semaphore, #tpu.memory_space<semaphore_mem>>
        %dma_start3A_40 = arith.constant 9984 : i32
        %dma_start3A_41 = arith.constant 0 : i32
        %dma_start3A_42 = tpu.memref_slice %arg6[%arg0, %dma_start3A_40, %dma_start3A_41] : memref<2x10000x128xf32, #tpu.memory_space<hbm>> -> memref<1x16x128xf32, #tpu.memory_space<hbm>>
        %dma_start3A_43 = tpu.memref_squeeze %dma_start3A_42 : memref<1x16x128xf32, #tpu.memory_space<hbm>> -> memref<16x128xf32, #tpu.memory_space<hbm>>
        %dma_start3A_44 = arith.constant 9984 : i32
        %dma_start3A_45 = arith.constant 0 : i32
        %dma_start3A_46 = tpu.memref_slice %arg12[%dma_start3A_44, %dma_start3A_45] : memref<10000x128xf32, #tpu.memory_space<vmem_shared>> -> memref<16x128xf32, #tpu.memory_space<vmem_shared>>
        tpu.enqueue_dma source(%dma_start3A_46 : memref<16x128xf32, #tpu.memory_space<vmem_shared>>) target(%dma_start3A_43 : memref<16x128xf32, #tpu.memory_space<hbm>>) target_semaphore(%run_scoped3A_39 : memref<!tpu.dma_semaphore, #tpu.memory_space<semaphore_mem>>)
        %dma_wait3A_47 = arith.constant 9984 : i32
        %dma_wait3A_48 = arith.constant 0 : i32
        %dma_wait3A_49 = tpu.memref_slice %arg6[%arg0, %dma_wait3A_47, %dma_wait3A_48] : memref<2x10000x128xf32, #tpu.memory_space<hbm>> -> memref<1x16x128xf32, #tpu.memory_space<hbm>>
        %dma_wait3A_50 = tpu.memref_squeeze %dma_wait3A_49 : memref<1x16x128xf32, #tpu.memory_space<hbm>> -> memref<16x128xf32, #tpu.memory_space<hbm>>
        %dma_wait3A_51 = arith.constant 9984 : i32
        %dma_wait3A_52 = arith.constant 0 : i32
        %dma_wait3A_53 = tpu.memref_slice %arg12[%dma_wait3A_51, %dma_wait3A_52] : memref<10000x128xf32, #tpu.memory_space<vmem_shared>> -> memref<16x128xf32, #tpu.memory_space<vmem_shared>>
        tpu.wait_dma2 semaphore(%run_scoped3A_39 : memref<!tpu.dma_semaphore, #tpu.memory_space<semaphore_mem>>) src(%dma_wait3A_53 : memref<16x128xf32, #tpu.memory_space<vmem_shared>>) dst(%dma_wait3A_50 : memref<16x128xf32, #tpu.memory_space<hbm>>)
        tpu.yield
      }) : () -> ()
    } else {
    }
    return
  }
}

module attributes {stable_mosaic.version = 14 : i64} {
  func.func @_tc_head_body(%arg0: memref<2x10000x128xf32, #tpu.memory_space<vmem>>, %arg1: memref<1x10000xi32, #tpu.memory_space<vmem>>, %arg2: memref<128x128xf32, #tpu.memory_space<vmem>>, %arg3: memref<1x128xf32, #tpu.memory_space<vmem>>, %arg4: memref<128x10xf32, #tpu.memory_space<vmem>>, %arg5: memref<1x10xf32, #tpu.memory_space<vmem>>, %arg6: memref<64x10xf32, #tpu.memory_space<vmem>>) attributes {dimension_semantics = [], scalar_prefetch = 0 : i64, scratch_operands = 0 : i64, tpu.core_type = #tpu.core_type<tc>} {
    %get3A = arith.constant 0 : index
    %get3A_0 = arith.constant 0 : index
    %get3A_1 = arith.constant 0 : index
    %get3A_2 = vector.load %arg0[%get3A, %get3A_0, %get3A_1] : memref<2x10000x128xf32, #tpu.memory_space<vmem>>, vector<1x10000x128xf32>
    %get3A_3 = vector.shape_cast %get3A_2 : vector<1x10000x128xf32> to vector<10000x128xf32>
    %get3A_4 = arith.constant 1 : index
    %get3A_5 = arith.constant 0 : index
    %get3A_6 = arith.constant 0 : index
    %get3A_7 = vector.load %arg0[%get3A_4, %get3A_5, %get3A_6] : memref<2x10000x128xf32, #tpu.memory_space<vmem>>, vector<1x10000x128xf32>
    %get3A_8 = vector.shape_cast %get3A_7 : vector<1x10000x128xf32> to vector<10000x128xf32>
    %add3A = arith.addf %get3A_3, %get3A_8 : vector<10000x128xf32>
    %get3A_9 = arith.constant 0 : index
    %get3A_10 = arith.constant 0 : index
    %get3A_11 = vector.load %arg2[%get3A_9, %get3A_10] : memref<128x128xf32, #tpu.memory_space<vmem>>, vector<128x128xf32>
    %dot_general3A = arith.constant dense<0.000000e+00> : vector<10000x128xf32>
    %dot_general3A_12 = tpu.matmul %add3A, %get3A_11, %dot_general3A {dimension_numbers = #tpu.dot_dimension_numbers<[1], [0], [0], [1], [0, 0, 1, 1], [], []>, transpose_lhs_hint = false} : vector<10000x128xf32>, vector<128x128xf32>, vector<10000x128xf32> -> vector<10000x128xf32>
    %get3A_13 = arith.constant 0 : index
    %get3A_14 = arith.constant 0 : index
    %get3A_15 = vector.load %arg3[%get3A_13, %get3A_14] : memref<1x128xf32, #tpu.memory_space<vmem>>, vector<1x128xf32>
    %add3A_16 = vector.broadcast %get3A_15 : vector<1x128xf32> to vector<10000x128xf32>
    %add3A_17 = arith.addf %dot_general3A_12, %add3A_16 : vector<10000x128xf32>
    %max3A = arith.constant 0.000000e+00 : f32
    %max3A_18 = vector.broadcast %max3A : f32 to vector<10000x128xf32>
    %max3A_19 = arith.maximumf %add3A_17, %max3A_18 : vector<10000x128xf32>
    %get3A_20 = arith.constant 0 : index
    %get3A_21 = arith.constant 0 : index
    %get3A_22 = vector.load %arg1[%get3A_20, %get3A_21] : memref<1x10000xi32, #tpu.memory_space<vmem>>, vector<1x10000xi32>
    %iota3A = tpu.iota {dimensions = array<i32: 0>} : vector<64x10000xi32>
    %eq3A = vector.broadcast %get3A_22 : vector<1x10000xi32> to vector<64x10000xi32>
    %eq3A_23 = arith.cmpi eq, %iota3A, %eq3A : vector<64x10000xi32>
    %convert_element_type3A = arith.extui %eq3A_23 : vector<64x10000xi1> to vector<64x10000xi32>
    %convert_element_type3A_24 = arith.sitofp %convert_element_type3A : vector<64x10000xi32> to vector<64x10000xf32>
    %dot_general3A_25 = arith.constant dense<0.000000e+00> : vector<64x128xf32>
    %dot_general3A_26 = tpu.matmul %convert_element_type3A_24, %max3A_19, %dot_general3A_25 {dimension_numbers = #tpu.dot_dimension_numbers<[1], [0], [0], [1], [0, 0, 1, 1], [], []>, transpose_lhs_hint = false} : vector<64x10000xf32>, vector<10000x128xf32>, vector<64x128xf32> -> vector<64x128xf32>
    %reduce_sum3A = arith.constant dense<0.000000e+00> : vector<64xf32>
    %reduce_sum3A_27 = vector.multi_reduction <add>, %convert_element_type3A_24, %reduce_sum3A [1] : vector<64x10000xf32> to vector<64xf32>
    %broadcast_in_dim3A = vector.shape_cast %reduce_sum3A_27 : vector<64xf32> to vector<64x1xf32>
    %max3A_28 = arith.constant 1.000000e+00 : f32
    %max3A_29 = vector.broadcast %max3A_28 : f32 to vector<64x1xf32>
    %max3A_30 = arith.maximumf %broadcast_in_dim3A, %max3A_29 : vector<64x1xf32>
    %div3A = vector.broadcast %max3A_30 : vector<64x1xf32> to vector<64x128xf32>
    %div3A_31 = arith.divf %dot_general3A_26, %div3A : vector<64x128xf32>
    %get3A_32 = arith.constant 0 : index
    %get3A_33 = arith.constant 0 : index
    %get3A_34 = vector.load %arg4[%get3A_32, %get3A_33] : memref<128x10xf32, #tpu.memory_space<vmem>>, vector<128x10xf32>
    %dot_general3A_35 = arith.constant dense<0.000000e+00> : vector<64x10xf32>
    %dot_general3A_36 = tpu.matmul %div3A_31, %get3A_34, %dot_general3A_35 {dimension_numbers = #tpu.dot_dimension_numbers<[1], [0], [0], [1], [0, 0, 1, 1], [], []>, transpose_lhs_hint = false} : vector<64x128xf32>, vector<128x10xf32>, vector<64x10xf32> -> vector<64x10xf32>
    %get3A_37 = arith.constant 0 : index
    %get3A_38 = arith.constant 0 : index
    %get3A_39 = vector.load %arg5[%get3A_37, %get3A_38] : memref<1x10xf32, #tpu.memory_space<vmem>>, vector<1x10xf32>
    %add3A_40 = vector.broadcast %get3A_39 : vector<1x10xf32> to vector<64x10xf32>
    %add3A_41 = arith.addf %dot_general3A_36, %add3A_40 : vector<64x10xf32>
    %swap3A = arith.constant 0 : index
    %swap3A_42 = arith.constant 0 : index
    %swap3A_43 = vector.load %arg6[%swap3A, %swap3A_42] : memref<64x10xf32, #tpu.memory_space<vmem>>, vector<64x10xf32>
    tpu.vector_store %arg6[%swap3A, %swap3A_42], %add3A_41 {strides = array<i32>} : memref<64x10xf32, #tpu.memory_space<vmem>>, vector<64x10xf32>,
    return
  }
}

</mosaic_0001>

<sc_bundles>
// kernel: kernel.4.cloned.1.call-start
scs
__scs_entry_jumppad:
0x0: {  	(pc) =	sbr.rel $0x88, $3  }
0x1: {  	(tag) =	ssettag $0x0;
	lr =	simm.s32 $0x1  }
0x2: {  	[smem:$0x3F99] =	sst lr;
	_ =	strace $0xD0000000  }
0x3: {  	_ = 	snop  }
0x4: {  	_ = 	snop  }
0x5: {  	_ = 	snop  }
0x6: {  	_ = 	snop  }
0x7: {  	_ = 	snop  }
__scs_overlays_trampoline_lowered:
0x8: {  	[smem:$0x3FA8] =	sst s0  }
0x9: {  	[smem:$0x3FA9] =	sst s1  }
0xa: {  	[smem:$0x3FAA] =	sst s2  }
0xb: {  	[smem:$0x3FAB] =	sst s3  }
0xc: {  	[smem:$0x3FAC] =	sst s4  }
0xd: {  	[smem:$0x3FAD] =	sst s5  }
0xe: {  	[smem:$0x3FAE] =	sst s6  }
0xf: {  	[smem:$0x3FAF] =	sst s7  }
0x10: {  	[smem:$0x3FB0] =	sst s8  }
0x11: {  	[smem:$0x3FB1] =	sst s9;
	s0 =	simm.s32 @!p0 $0x0  }
0x12: {  	s1 =	sld [smem:$0x3F97];
	s0 =	simm.s32 @p0 $0x1  }
0x13: {  	[smem:$0x3FB2] =	sst s0;
	s0 =	simm.s32 @!p1 $0x0  }
0x14: {  	s2 =	sld [smem:$0x3F96];
	s0 =	simm.s32 @p1 $0x1  }
0x15: {  	[smem:$0x3FB3] =	sst s0;
	s0 =	simm.s32 @!p2 $0x0  }
0x16: {  	s3 =	sld [smem:$0x3FDB];
	s0 =	simm.s32 @p2 $0x1  }
0x17: {  	s4 =	simm.s32 $0x1BF5;
	[smem:$0x3FB5] =	sst s0  }
0x18: {  	s0 =	sld [smem:$0x3F98];
	_ =	swait.ge [sflag:s4], $0x0  }
0x19: {  	s7 =	sld [smem:$0x3F99]  }
0x1a: {  	s8 =	sadd.s32 $0xFFFFE003, lr  }
0x1b: {  	s9 =	sadd.s32 $0xFFFFFEF7, lr;
	s5 =	simm.s32 $0xFFFFFFFF;
	p2 =	slt.u32 s8, $0xFFFFF086  }
0x1c: {  	p1 =	slt.u32 s9, $0xF7A;
	s5 =	simm.s32 @!p2 $0x0  }
0x1d: {  	s5 =	simm.s32 @p1 $0x1;
	p0 =	seq.s32 s7, s2  }
0x1e: {  	s7 =	smul.u32 @!p0 $0xF7A, s2;
	p2 =	seq.s32 @!p0 s5, $0x0  }
0x1f: {  	s9 =	smul.u32 $0xF7A, s1;
	s8 =	simm.s32 @!p0 $0x1BF5;
	p2 =	por !p2, p0  }
0x20: {  	[sflag:s8] =	ssyncset.s32 @!p0 $0xFFFFF086;
	s6 =	sadd.s32 @!p0 s3, s7;
	s7 =	simm.s32 @!p0 $0x108  }
0x21: {  	s3 =	sadd.s32 s3, s9;
	s6 =	sadd.s32 @!p0 $0x88, s6;
	s7 =	simm.s32 @p2 $0x1082  }
0x22: {  	[simem:s7], [sflag:s8] =	dma.local @!p0 [hbm:s6], $0xF7A  }
0x23: {  	s9 =	sor.u32 $0xD0000000, s2;
	s6 =	simm.s32 $0x108;
	_ =	swait.ge @!p0 [sflag:s8], $0x0  }
0x24: {  	s3 =	sadd.s32 $0x88, s3;
	s6 =	simm.s32 @!p1 $0x1082;
	[sflag:s4] =	ssyncset.s32 $0xFFFFF086  }
0x25: {  	[simem:s6], [sflag:s4] =	dma.local [hbm:s3], $0xF7A  }
0x26: {  	[smem:$0x3F99] =	sst s1;
	(tag) =	ssettag s2;
	_ =	strace s9  }
0x27: {  	s1 =	sld [smem:$0x3FA9]  }
0x28: {  	s2 =	sld [smem:$0x3FAA]  }
0x29: {  	s4 =	sld [smem:$0x3FAC]  }
0x2a: {  	p0 =	seq.s32 s5, $0x0;
	s5 =	sld [smem:$0x3FAD]  }
0x2b: {  	s6 =	sld [smem:$0x3FAE]  }
0x2c: {  	s7 =	sld [smem:$0x3FAF]  }
0x2d: {  	s3 =	simm.s32 $0x108;
	s8 =	sld [smem:$0x3FB0]  }
0x2e: {  	s3 =	simm.s32 @!p0 $0x1082;
	s9 =	sld [smem:$0x3FB1]  }
0x2f: {  	lr =	sadd.s32 s0, s3;
	s0 =	sld [smem:$0x3FA8]  }
0x30: {  	s3 =	sld [smem:$0x3FAB]  }
0x31: {  	[smem:$0x3FB4] =	sst s10  }
0x32: {  	s10 =	sld [smem:$0x3FB2];
	_ =	sdelay $0x3  }
0x33: {  	p0 =	seq.s32 s10, $0x1;
	s10 =	sld [smem:$0x3FB4];
	_ =	sdelay $0x3  }
0x34: {  	[smem:$0x3FB4] =	sst s10  }
0x35: {  	s10 =	sld [smem:$0x3FB3];
	_ =	sdelay $0x3  }
0x36: {  	p1 =	seq.s32 s10, $0x1;
	s10 =	sld [smem:$0x3FB4];
	_ =	sdelay $0x3  }
0x37: {  	[smem:$0x3FB4] =	sst s10  }
0x38: {  	s10 =	sld [smem:$0x3FB5]  }
0x39: {  	_ = 	snop;
	(pc) =	sbr.ind lr, $3  }
0x3a: {  	_ = 	snop  }
0x3b: {  	_ = 	snop  }
0x3c: {  	p2 =	seq.s32 s10, $0x1;
	s10 =	sld [smem:$0x3FB4]  }
0x3d: {  	_ =	shalt  }
0x3e: {  	_ =	shalt  }
0x3f: {  	_ =	shalt  }
0x40: {  	_ =	shalt  }
0x41: {  	_ =	shalt  }
0x42: {  	_ =	shalt  }
0x43: {  	_ =	shalt  }
0x44: {  	_ =	shalt  }
0x45: {  	_ =	shalt  }
0x46: {  	_ =	shalt  }
0x47: {  	_ =	shalt  }
0x48: {  	_ =	shalt  }
0x49: {  	_ =	shalt  }
0x4a: {  	_ =	shalt  }
0x4b: {  	_ =	shalt  }
0x4c: {  	_ =	shalt  }
0x4d: {  	_ =	shalt  }
0x4e: {  	_ =	shalt  }
0x4f: {  	_ =	shalt  }
0x50: {  	_ =	shalt  }
0x51: {  	_ =	shalt  }
0x52: {  	_ =	shalt  }
0x53: {  	_ =	shalt  }
0x54: {  	_ =	shalt  }
0x55: {  	_ =	shalt  }
0x56: {  	_ =	shalt  }
0x57: {  	_ =	shalt  }
0x58: {  	_ =	shalt  }
0x59: {  	_ =	shalt  }
0x5a: {  	_ =	shalt  }
0x5b: {  	_ =	shalt  }
0x5c: {  	_ =	shalt  }
0x5d: {  	_ =	shalt  }
0x5e: {  	_ =	shalt  }
0x5f: {  	_ =	shalt  }
0x60: {  	_ =	shalt  }
0x61: {  	_ =	shalt  }
0x62: {  	_ =	shalt  }
0x63: {  	_ =	shalt  }
0x64: {  	_ =	shalt  }
0x65: {  	_ =	shalt  }
0x66: {  	_ =	shalt  }
0x67: {  	_ =	shalt  }
0x68: {  	_ =	shalt  }
0x69: {  	_ =	shalt  }
0x6a: {  	_ =	shalt  }
0x6b: {  	_ =	shalt  }
0x6c: {  	_ =	shalt  }
0x6d: {  	_ =	shalt  }
0x6e: {  	_ =	shalt  }
0x6f: {  	_ =	shalt  }
0x70: {  	_ =	shalt  }
0x71: {  	_ =	shalt  }
0x72: {  	_ =	shalt  }
0x73: {  	_ =	shalt  }
0x74: {  	_ =	shalt  }
0x75: {  	_ =	shalt  }
0x76: {  	_ =	shalt  }
0x77: {  	_ =	shalt  }
0x78: {  	_ =	shalt  }
0x79: {  	_ =	shalt  }
0x7a: {  	_ =	shalt  }
0x7b: {  	_ =	shalt  }
0x7c: {  	_ =	shalt  }
0x7d: {  	_ =	shalt  }
0x7e: {  	_ =	shalt  }
0x7f: {  	_ =	shalt  }
0x80: {  	_ =	shalt  }
0x81: {  	_ =	shalt  }
0x82: {  	_ =	shalt  }
0x83: {  	_ =	shalt  }
0x84: {  	_ =	shalt  }
0x85: {  	_ =	shalt  }
0x86: {  	_ =	shalt  }
0x87: {  	_ =	shalt  }
.Lfunc_end0:
.L_simem_size_0:
called_computation_lowered:
.L_overlay_start_0:
0x88: {  	s2 =	sld [smem:$0x3FD9]  }
0x89: {  	s3 =	sld [smem:$0x3FFE];
	_ =	sdelay $0x1  }
0x8a: {  	s1 =	srdreg.scid  }
0x8b: {  	s0 =	sand.u32 $0x1, s1  }
0x8c: {  	s17 =	sshll.u32 s0, $0xA;
	s2 =	sadd.s32 s3, s2  }
0x8d: {  	s2 =	sadd.s32 s2, s17  }
0x8e: {  	[smem:$0x3FC0] =	sst s2  }
0x8f: {  	_ = 	snop  }
0x90: {  	s2 =	sld [smem:$0x3FC9]  }
0x91: {  	s18 =	sld [smem:$0x3FC6];
	(tm) =	ssettm $0x1  }
0x92: {  	s4 =	sld [smem:$0x3FFB];
	_ =	sdelay $0x3  }
0x93: {  	_ =	strace s4  }
0x94: {  	s4 =	sld [smem:$0x3FFC];
	_ =	sdelay $0x3  }
0x95: {  	_ =	strace s4  }
0x96: {  	s4 =	sld [smem:$0x3FFD];
	_ =	sdelay $0x3  }
0x97: {  	_ =	strace s4  }
0x98: {  	_ =	strace $0x8FFFFFFF  }
0x99: {  	s19 =	sld [smem:$0x3FDB];
	_ =	sdelay $0x1  }
0x9a: {  	s5 =	simm.s32 $_scs_section_size  }
0x9b: {  	s6 =	simm.s32 $_size__tile_overlayer_lowered;
	s7 =	simm.s32 $_tile_overlayer_lowered  }
0x9c: {  	s22 =	simm.s32 $0x1BFF;
	s21 =	sshll.u32 s7, $0x1;
	s4 =	sadd.s32 s5, s19  }
0x9d: {  	s8 =	simm.s32 $0x0;
	s20 =	sshll.u32 s6, $0x1;
	s6 =	sadd.s32 s21, s4  }
0x9e: {  	[timem:s8], [sflag:s22] =	dma.local [hbm:s6], s20  }
0x9f: {  	_ =	swait.ge [sflag:s22], s20  }
0xa0: {  	s5 =	ssub.s32 $0x0, s20;
	[sflag:s22] =	ssyncset.done $0x0  }
0xa1: {  	[sflag:s22] =	ssyncadd.s32 s5;
	_ =	sdelay $0x1  }
0xa2: {  	s23 =	simm.s32 $0x1B8B  }
0xa3: {  	_ =	swait.ge [sflag:s23], $0x1  }
0xa4: {  	[sflag:s23] =	ssyncset.done $0x0  }
0xa5: {  	s25 =	simm.s32 $0x1B8E;
	s24 =	sld [smem:$0x3FFE];
	[sflag:s23] =	ssyncadd.s32 $0xFFFFFFFF  }
0xa6: {  	s26 =	simm.s32 $execute0_lowered;
	[smem:$0x3FD2] =	sst s25  }
0xa7: {  	s6 =	sshll.u32 s26, $0x1;
	_ =	strace $0x80000046;
	[dreg:$0x1] =	wrdreg $0xFFFFFFFF  }
0xa8: {  	s28 =	simm.s32 $_size_execute0_lowered;
	s4 =	sadd.s32 s4, s6;
	[dreg:$0x0] =	wrdreg $0x0  }
0xa9: {  	s6 =	sshll.u32 s28, $0x1;
	[dreg:$0x2] =	wrdreg s4  }
0xaa: {  	[dreg:$0x3] =	wrdreg s6  }
0xab: {  	[dreg:$0x4] =	wrdreg $0xC0  }
0xac: {  	_ =	task [dreg:s8], $0x5FFFF  }
0xad: {  	[dreg:$0x1] =	wrdreg $0xFFFFFFFF  }
0xae: {  	[dreg:$0x0] =	wrdreg $0x60  }
0xaf: {  	[dreg:$0x2] =	wrdreg s2  }
0xb0: {  	[dreg:$0x3] =	wrdreg s24  }
0xb1: {  	[dreg:$0x4] =	wrdreg s18  }
0xb2: {  	[dreg:$0x5] =	wrdreg $0x79800  }
0xb3: {  	[dreg:$0x6] =	wrdreg $0x9  }
0xb4: {  	_ =	task.clear_ibuf [dreg:s8], $0x7FFFF;
	_ =	strace $0x90000046  }
0xb5: {  	s29 =	simm.s32 $0x9;
	_ =	strace $0x80000048  }
0xb6: {  	_ =	swait.ge [sflag:s29], $0x1  }
0xb7: {  	[sflag:s29] =	ssyncadd.s32 $0xFFFFFFFF  }
0xb8: {  	_ =	strace $0x90000048  }
0xb9: {  	_ =	sfence  }
0xba: {  	s30 =	sld [smem:$0x0];
	_ =	sdelay $0x2  }
0xbb: {  	s31 =	sshll.u32 s1, $0xD;
	s1 =	sshrl.u32 s1, $0x2  }
0xbc: {  	s3 =	sand.u32 $0x4000, s31;
	s1 =	sadd.s32 s1, s30  }
0xbd: {  	s0 =	sor.u32 s3, s0;
	s1 =	sshll.u32 s1, $0x11  }
0xbe: {  	s0 =	sor.u32 s1, s0  }
0xbf: {  	s0 =	sadd.s32 $0x8F2B, s0  }
0xc0: {  	[sflag:s0] =	ssyncadd.remote.s32 $0x1  }
0xc1: {  	_ =	sfence.sel $0xFFFF  }
0xc2: {  	[dreg:$0x0] =	wrdreg $0xFFFFFFFF;
	(pc) =	sbr.abs _section_cstart, $3  }
0xc3: {  	[dreg:$0x1] =	wrdreg $0xFFFFFFFF  }
0xc4: {  	_ =	task.clear_ibuf [dreg:s8], $0x2FFFF;
	_ =	strace $0x9FFFFFFF  }
0xc5: {  	(tm) =	ssettm $0x7FFFFFFF  }
tec
execute0_lowered:
.L_overlay_start_1:
0x0: {  	(tag) =	ssettag $0x1  }
0x1: {  	s2 =	rddreg [dreg:$0x0]  }
0x2: {  	s0 =	rddreg [dreg:$0x1]  }
0x3: {  	s1 =	rddreg [dreg:$0x2]  }
0x4: {  	s3 =	rddreg [dreg:$0x3];
	s16 =	stileid.u32;
	s4 =	simm.s32 $0x0  }
0x5: {  	s5 =	srdreg.scid;
	s28 =	simm.s32 $0x2;
	s29 =	simm.s32 $0x180  }
0x6: {  	s30 =	simm.s32 $0x0;
	s7 =	smul.u32 $0x13800, s16;
	[smem:$0x7FF] =	sst s4  }
0x7: {  	s8 =	sand.u32 $0x1, s5;
	s5 =	sadd.s32 $0x800, s0;
	s11 =	smul.u32 $0x4E000, s16  }
0x8: {  	s12 =	sadd.s32 $0x46E00, s0;
	p0 =	sne.s32 s16, $0xF;
	s31 =	sshll.u32 s16, $0x6  }
0x9: {  	_ =	strace $0x80000047;
	s19 =	sshll.u32 s8, $0x4;
	s10 =	ssub.s32 $0x2, s8  }
0xa: {  	s8 =	smul.u32 $0x138800, s8;
	s17 =	sor.u32 $0x1C03, s31;
	s6 =	sshrl.u32 s7, $0x3  }
0xb: {  	s13 =	sshrl.u32 s10, $0x1;
	s20 =	sshrl.u32 s11, $0x2;
	s9 =	sadd.s32 s6, s0  }
0xc: {  	s6 =	sor.u32 s16, s19;
	s15 =	ssub.s32 s10, s13;
	s21 =	sadd.s32 s20, s3  }
0xd: {  	s19 =	sadd.s32 $0x138000, s3;
	s0 =	sadd.s32 $0x46C00, s0;
	s7 =	sadd.s32 s7, s8  }
0xe: {  	s8 =	sshrl.u32 s8, $0x3;
	s16 =	simm.s32 $0x3;
	s14 =	smul.u32 $0x4E2, s6  }
0xf: {  	s20 =	simm.s32 $0x50;
	s6 =	smul.u32 $0x7D00, s6;
	s9 =	sadd.s32 $0x1FC00, s9  }
0x10: {  	[dreg:$0x7] =	wrdreg s0;
	s23 =	sshrl.u32 s7, $0x3;
	s24 =	sadd.s32 s12, s8  }
0x11: {  	s26 =	smax.u32 s15, $0x1;
	s18 =	sshrl.u32 s21, $0x3;
	s19 =	sshrl.u32 @!p0 s19, $0x3  }
0x12: {  	s21 =	simm.s32 $0x2980;
	[dreg:$0x6] =	wrdreg s9;
	s25 =	sadd.s32 $0x27000, s24  }
0x13: {  	[dreg:$0xb] =	wrdreg s26;
	s24 =	simm.s32 $0x1;
	s26 =	simm.s32 $0x80  }
0x14: {  	s1 =	sadd.s32 s1, s14;
	s22 =	sshrl.u32 s6, $0x3;
	[dreg:$0xa] =	wrdreg s25  }
0x15: {  	s11 =	sadd.s32 $0x200, s6;
	[dreg:$0x5] =	wrdreg s1;
	s0 =	sadd.s32 s5, s22  }
0x16: {  	s25 =	simm.s32 $0x200;
	[dreg:$0x8] =	wrdreg s0;
	s0 =	sadd.s32 s12, s23  }
0x17: {  	s22 =	simm.s32 $0x100;
	s23 =	simm.s32 $0x5180;
	[dreg:$0x9] =	wrdreg s0  }
.LBB2_1:
0x18: {  	s0 =	rddreg [dreg:$0x5];
	s1 =	simm.s32 $0x208  }
0x19: {  	[tilespmem:s1], [sflag:$0x3] =	stream.linear.gather [hbm4b:s0+s4], $0x2710, $0x38;
	[tilespmem:$0x1B200] =	vst v63  }
0x1a: {  	_ =	swait.ge [sflag:s16], $0x2710  }
0x1b: {  	[sflag:s16] =	ssyncset.done $0x0  }
0x1c: {  	s14 =	rddreg [dreg:$0x6];
	[sflag:s16] =	ssyncadd.s32 $0xFFFFD8F0  }
0x1d: {  	[spmem:s18], [sflag:s17] =	dma.local [hbm:s14], $0x2700  }
0x1e: {  	_ =	swait.ge [sflag:s16], $0x2700  }
0x1f: {  	[sflag:s16] =	ssyncset.done $0x0  }
0x20: {  	s0 =	rddreg [dreg:$0x7];
	[sflag:s16] =	ssyncadd.s32 $0xFFFFD900  }
0x21: {  	[spmem:s19], [sflag:s17] =	dma.local @!p0 [hbm:s0], $0x100  }
0x22: {  	s0 =	simm.s32 @!p0 $0x3  }
0x23: {  	_ =	swait.ge @!p0 [sflag:s0], $0x100  }
0x24: {  	[sflag:s0] =	ssyncset.done @!p0 $0x0  }
0x25: {  	[sflag:s0] =	ssyncadd.s32 @!p0 $0xFFFFFF00  }
0x26: {  	[bflag:$0x0] =	sbarrier.arrive $0xFFFF  }
0x27: {  	s15 =	rddreg [dreg:$0x8]  }
0x28: {  	[tilespmem:s4], [sflag:$0x3] =	stream.linear.gather [hbm4b:s15+s4], $0x100, $0x38;
	[tilespmem:$0x1B200] =	vst v63  }
0x29: {  	_ =	swait.ge [sflag:s16], $0x100  }
0x2a: {  	[sflag:s16] =	ssyncset.done $0x0  }
0x2b: {  	s31 =	simm.s32 $0x0;
	s0 =	simm.s32 $0x0;
	[sflag:s16] =	ssyncadd.s32 $0xFFFFFF00  }
0x2c: {  	[tilespmem:s21], [sflag:$0x1] =	stream.indirect.gather [hbm4b:s2+s20], $0x80, s4, s20, $0xb8;
	[tilespmem:$0x1B200] =	vst v63  }
.LBB2_2:
0x2d: {  	s1 =	sshll.u32 s0, $0x9  }
0x2e: {  	s7 =	sadd.s32 s1, s6  }
0x2f: {  	s7 =	sadd.s32 $0x100, s7  }
0x30: {  	s7 =	sshrl.u32 s7, $0x3  }
0x31: {  	s7 =	sadd.s32 s5, s7  }
0x32: {  	[tilespmem:s22], [sflag:$0x3] =	stream.linear.gather [hbm4b:s7+s4], $0x100, $0x38;
	[tilespmem:$0x1B200] =	vst v63  }
0x33: {  	_ =	swait.ge [sflag:s16], $0x100  }
0x34: {  	[sflag:s16] =	ssyncset.done $0x0  }
0x35: {  	[sflag:s16] =	ssyncadd.s32 $0xFFFFFF00  }
0x36: {  	[tilespmem:s23], [sflag:$0x2] =	stream.indirect.gather [hbm4b:s2+s20], $0x80, s22, s20, $0xb8;
	[tilespmem:$0x1B200] =	vst v63  }
0x37: {  	s7 =	sadd.s32 $0xFFFFFFF8, s31;
	_ =	swait.ge [sflag:s24], $0x2800  }
0x38: {  	s8 =	sadd.s32 $0x10, s7;
	s15 =	sadd.s32 $0x16, s7;
	[sflag:s24] =	ssyncset.done $0x0  }
0x39: {  	v0 =	vmov s8;
	v1 =	vmov s15;
	s15 =	simm.s32 $0x2B80;
	[sflag:s24] =	ssyncadd.s32 $0xFFFFD800  }
0x3a: {  	v0 =	vand.u32 $0xFFFFFFF8, v0;
	v3 =	vld [tilespmem:s15+$0xFFFFFE00]  }
0x3b: {  	v1 =	vand.u32 $0xFFFFFFFE, v1;
	v0 =	vbroadcast v0, $0x0;
	v5 =	vld [tilespmem:s15+$0xFFFFFE10]  }
0x3c: {  	v1 =	vbroadcast v1, $0x0;
	v6 =	vld [tilespmem:s15+$0xFFFFFE30]  }
0x3d: {  	v7 =	vld [tilespmem:s15+$0xFFFFFE40]  }
0x3e: {  	v8 =	vld [tilespmem:s15+$0xFFFFFE50]  }
0x3f: {  	s9 =	sadd.s32 $0x11, s7;
	v9 =	vld [tilespmem:s15+$0xFFFFFE60]  }
0x40: {  	v2 =	vmov s9;
	v11 =	vld [tilespmem:s15+$0xFFFFFE70]  }
0x41: {  	v2 =	vand.u32 $0xFFFFFFF9, v2;
	v4 =	vld.idx.msk [tilespmem:v0+s25+$0x0], $0xffff  }
0x42: {  	v2 =	vbroadcast v2, $0x0;
	v0 =	vld.idx.msk [tilespmem:v1+s25+$0x0], $0xffff  }
0x43: {  	v1 =	vld [tilespmem:s15+$0x170]  }
0x44: {  	v12 =	vld [tilespmem:s15+$0xFFFFFE80]  }
0x45: {  	v13 =	vld [tilespmem:s15+$0xFFFFFE90]  }
0x46: {  	s10 =	sadd.s32 $0x12, s7;
	v14 =	vld [tilespmem:s15+$0xFFFFFEA0]  }
0x47: {  	v10 =	vmov s10;
	v15 =	vld [tilespmem:s15+$0xFFFFFEB0];
	v3 =	vmul.f32 v3, v4  }
0x48: {  	v10 =	vand.u32 $0xFFFFFFFA, v10;
	v2 =	vld.idx.msk [tilespmem:v2+s25+$0x0], $0xffff;
	v1 =	vmul.f32 v1, v0  }
0x49: {  	v10 =	vbroadcast v10, $0x0;
	v55 =	vld [tilespmem:s15+$0xFFFFFED0];
	v7 =	vmul.f32 v7, v4;
	[tilespmem:s15+$0xFFFFFE00] =	vst v3  }
0x4a: {  	v56 =	vld [tilespmem:s15+$0xFFFFFF30];
	v5 =	vmul.f32 v5, v4;
	[tilespmem:s15+$0x170] =	vst v1  }
0x4b: {  	v3 =	vld [tilespmem:s15+$0xFFFFFE20];
	[tilespmem:s15+$0xFFFFFE40] =	vst v7;
	v7 =	vmul.f32 v9, v4  }
0x4c: {  	v57 =	vld [tilespmem:s15+$0xFFFFFF40];
	v6 =	vmul.f32 v6, v4;
	[tilespmem:s15+$0xFFFFFE10] =	vst v5  }
0x4d: {  	v58 =	vld [tilespmem:s15+$0xFFFFFFB0];
	[tilespmem:s15+$0xFFFFFE60] =	vst v7;
	v7 =	vmul.f32 v13, v2  }
0x4e: {  	v59 =	vld [tilespmem:s15+$0xFFFFFFC0];
	v5 =	vmul.f32 v12, v2;
	[tilespmem:s15+$0xFFFFFE30] =	vst v6  }
0x4f: {  	s12 =	sadd.s32 $0x13, s7;
	v10 =	vld.idx.msk [tilespmem:v10+s25+$0x0], $0xffff;
	[tilespmem:s15+$0xFFFFFE90] =	vst v7;
	v7 =	vmul.f32 v15, v2  }
0x50: {  	v9 =	vld [tilespmem:s15+$0xFFFFFF00];
	[tilespmem:s15+$0xFFFFFE80] =	vst v5;
	v5 =	vmov s12;
	v1 =	vmul.f32 v3, v4  }
0x51: {  	v6 =	vmul.f32 v8, v4;
	v5 =	vand.u32 $0xFFFFFFFB, v5;
	v3 =	vld [tilespmem:s15+$0xFFFFFEC0];
	v4 =	vmul.f32 v11, v4;
	[tilespmem:s15+$0xFFFFFEB0] =	vst v7  }
0x52: {  	v5 =	vbroadcast v5, $0x0;
	v7 =	vld [tilespmem:s15+$0xFFFFFF60];
	[tilespmem:s15+$0xFFFFFE20] =	vst v1  }
0x53: {  	v1 =	vld [tilespmem:s15+$0xFFFFFEE0];
	[tilespmem:s15+$0xFFFFFE70] =	vst v4;
	v4 =	vmul.f32 v14, v2  }
0x54: {  	v8 =	vld [tilespmem:s15+$0xFFFFFEF0];
	v12 =	vmul.f32 v55, v2;
	[tilespmem:s15+$0xFFFFFE50] =	vst v6  }
0x55: {  	v6 =	vld [tilespmem:s15+$0xFFFFFF10];
	[tilespmem:s15+$0xFFFFFEA0] =	vst v4;
	v4 =	vmul.f32 v9, v10  }
0x56: {  	[tilespmem:s15+$0xFFFFFED0] =	vst v12;
	v11 =	vld [tilespmem:s15+$0xFFFFFF20];
	v3 =	vmul.f32 v3, v2  }
0x57: {  	v9 =	vld [tilespmem:s15+$0xFFFFFF50];
	[tilespmem:s15+$0xFFFFFF00] =	vst v4;
	v7 =	vmul.f32 v7, v10  }
0x58: {  	s13 =	sadd.s32 $0x14, s7;
	v5 =	vld.idx.msk [tilespmem:v5+s25+$0x0], $0xffff;
	[tilespmem:s15+$0xFFFFFEC0] =	vst v3;
	v1 =	vmul.f32 v1, v2  }
0x59: {  	v4 =	vmov s13;
	v3 =	vld [tilespmem:s15+$0xFFFFFF70];
	v2 =	vmul.f32 v8, v2;
	[tilespmem:s15+$0xFFFFFF60] =	vst v7  }
0x5a: {  	v4 =	vand.u32 $0xFFFFFFFC, v4;
	v8 =	vld [tilespmem:s15+$0xFFFFFF80];
	[tilespmem:s15+$0xFFFFFEE0] =	vst v1;
	v1 =	vmul.f32 v6, v10  }
0x5b: {  	v60 =	vld [tilespmem:s15+$0x30];
	v4 =	vbroadcast v4, $0x0;
	[tilespmem:s15+$0xFFFFFEF0] =	vst v2;
	v2 =	vmul.f32 v11, v10  }
0x5c: {  	v6 =	vld [tilespmem:s15+$0xFFFFFF90];
	v9 =	vmul.f32 v9, v10;
	[tilespmem:s15+$0xFFFFFF10] =	vst v1  }
0x5d: {  	v11 =	vld [tilespmem:s15+$0xFFFFFFA0];
	v1 =	vmul.f32 v56, v10;
	[tilespmem:s15+$0xFFFFFF20] =	vst v2  }
0x5e: {  	v7 =	vld [tilespmem:s15+$0x0];
	v2 =	vmul.f32 v57, v10;
	[tilespmem:s15+$0xFFFFFF50] =	vst v9  }
0x5f: {  	v3 =	vmul.f32 v3, v10;
	v10 =	vld [tilespmem:s15+$0x10];
	[tilespmem:s15+$0xFFFFFF30] =	vst v1;
	v1 =	vmul.f32 v8, v5  }
0x60: {  	s14 =	sadd.s32 $0x15, s7;
	[tilespmem:s15+$0xFFFFFF40] =	vst v2;
	v2 =	vld [tilespmem:s15+$0xFFFFFFE0]  }
0x61: {  	v4 =	vld.idx.msk [tilespmem:v4+s25+$0x0], $0xffff;
	v6 =	vmul.f32 v6, v5;
	[tilespmem:s15+$0xFFFFFF80] =	vst v1;
	v1 =	vmov s14  }
0x62: {  	v8 =	vld [tilespmem:s15+$0xFFFFFFD0];
	[tilespmem:s15+$0xFFFFFF70] =	vst v3;
	v3 =	vmul.f32 v11, v5;
	v1 =	vand.u32 $0xFFFFFFFD, v1  }
0x63: {  	v62 =	vld [tilespmem:s15+$0xD0];
	[tilespmem:s15+$0xFFFFFF90] =	vst v6;
	v6 =	vmul.f32 v58, v5;
	v1 =	vbroadcast v1, $0x0  }
0x64: {  	v9 =	vld [tilespmem:s15+$0xFFFFFFF0];
	[tilespmem:s15+$0xFFFFFFA0] =	vst v3;
	v3 =	vmul.f32 v59, v5  }
0x65: {  	v11 =	vld [tilespmem:s15+$0x20];
	[tilespmem:s15+$0xFFFFFFB0] =	vst v6;
	v2 =	vmul.f32 v2, v5  }
0x66: {  	[tilespmem:s15+$0xFFFFFFC0] =	vst v3;
	v3 =	vmul.f32 v7, v4;
	v7 =	vld [tilespmem:s15+$0x50]  }
0x67: {  	v6 =	vmul.f32 v8, v5;
	v8 =	vld [tilespmem:s15+$0x40];
	[tilespmem:s15+$0xFFFFFFE0] =	vst v2;
	v2 =	vmul.f32 v10, v4  }
0x68: {  	[tilespmem:s15+$0x0] =	vst v3;
	v3 =	vld [tilespmem:s15+$0x70]  }
0x69: {  	[tilespmem:s15+$0x10] =	vst v2;
	v2 =	vmul.f32 v60, v4;
	v61 =	vld.idx.msk [tilespmem:v1+s25+$0x0], $0xffff  }
0x6a: {  	[tilespmem:s15+$0xFFFFFFD0] =	vst v6;
	v1 =	vmul.f32 v9, v5;
	v5 =	vld [tilespmem:s15+$0x80]  }
0x6b: {  	v6 =	vld [tilespmem:s15+$0x60];
	[tilespmem:s15+$0x30] =	vst v2;
	v2 =	vmul.f32 v7, v4  }
0x6c: {  	v9 =	vld [tilespmem:s15+$0x90];
	[tilespmem:s15+$0xFFFFFFF0] =	vst v1;
	v1 =	vmul.f32 v11, v4  }
0x6d: {  	v7 =	vld [tilespmem:s15+$0xB0];
	[tilespmem:s15+$0x50] =	vst v2;
	v3 =	vmul.f32 v3, v4  }
0x6e: {  	s7 =	sadd.s32 $0x17, s7;
	[tilespmem:s15+$0x20] =	vst v1;
	v1 =	vmul.f32 v8, v4;
	v8 =	vld [tilespmem:s15+$0xA0]  }
0x6f: {  	v63 =	vld [tilespmem:s15+$0xE0];
	v10 =	vmov s7;
	v2 =	vmul.f32 v5, v61;
	[tilespmem:s15+$0x70] =	vst v3  }
0x70: {  	v11 =	vld [tilespmem:s15+$0xC0];
	[tilespmem:s15+$0x40] =	vst v1;
	v1 =	vmul.f32 v6, v4  }
0x71: {  	v5 =	vld [tilespmem:s15+$0x110];
	v4 =	vmul.f32 v9, v61;
	[tilespmem:s15+$0x80] =	vst v2  }
0x72: {  	v9 =	vld [tilespmem:s15+$0xF0];
	v3 =	vmul.f32 v7, v61;
	[tilespmem:s15+$0x60] =	vst v1  }
0x73: {  	v6 =	vld [tilespmem:s15+$0x100];
	[tilespmem:s15+$0x90] =	vst v4;
	v2 =	vmul.f32 v8, v61  }
0x74: {  	v7 =	vmul.f32 v62, v61;
	v1 =	vld.idx.msk [tilespmem:v10+s25+$0x0], $0xffff;
	[tilespmem:s15+$0xB0] =	vst v3  }
0x75: {  	v4 =	vld [tilespmem:s15+$0x120];
	[tilespmem:s15+$0xA0] =	vst v2;
	v2 =	vmul.f32 v11, v61  }
0x76: {  	v3 =	vld [tilespmem:s15+$0x130];
	[tilespmem:s15+$0xD0] =	vst v7;
	v8 =	vmul.f32 v63, v61  }
0x77: {  	s8 =	simm.s32 $0x0;
	s7 =	simm.s32 $0x2B80;
	v7 =	vmul.f32 v9, v61;
	[tilespmem:s15+$0xC0] =	vst v2;
	v2 =	vld [tilespmem:s15+$0x140]  }
.LBB2_3:
0x78: {  	s9 =	sadd.s32 s8, s31;
	s8 =	sadd.s32 $0x8, s8;
	[tilespmem:s15+$0xE0] =	vst v8;
	v6 =	vmul.f32 v6, v0;
	v8 =	vld [tilespmem:s15+$0x150]  }
0x79: {  	s10 =	sadd.s32 $0x10, s9;
	s12 =	sadd.s32 $0x16, s9;
	p1 =	slt.u32 s8, $0x48;
	[tilespmem:s15+$0xF0] =	vst v7;
	v5 =	vmul.f32 v5, v0;
	v7 =	vld [tilespmem:s15+$0x160]  }
0x7a: {  	s13 =	sadd.s32 $0x12, s9;
	s14 =	sadd.s32 $0x13, s9;
	v9 =	vmov s10;
	s10 =	sadd.s32 $0x11, s9;
	v10 =	vmov s12;
	[tilespmem:s15+$0x100] =	vst v6;
	v4 =	vmul.f32 v4, v0;
	v6 =	vld [tilespmem:s15+$0x180]  }
0x7b: {  	v12 =	vmov s13;
	s12 =	sadd.s32 $0x15, s9;
	v11 =	vmov s10;
	s10 =	sadd.s32 $0x14, s9;
	v10 =	vand.u32 $0xFFFFFFFE, v10;
	s9 =	sadd.s32 $0x17, s9;
	[tilespmem:s15+$0x110] =	vst v5;
	v5 =	vld [tilespmem:s15+$0x190]  }
0x7c: {  	v13 =	vmov s14;
	v14 =	vmov s10;
	v10 =	vbroadcast v10, $0x0;
	[tilespmem:s15+$0x120] =	vst v4;
	v4 =	vld [tilespmem:s15+$0x1A0]  }
0x7d: {  	v9 =	vand.u32 $0xFFFFFFF8, v9;
	v15 =	vmov s12;
	v11 =	vand.u32 $0xFFFFFFF9, v11;
	v16 =	vld [tilespmem:s15+$0x1B0]  }
0x7e: {  	v12 =	vand.u32 $0xFFFFFFFA, v12;
	v13 =	vand.u32 $0xFFFFFFFB, v13;
	v14 =	vand.u32 $0xFFFFFFFC, v14;
	v17 =	vld [tilespmem:s15+$0x1C0]  }
0x7f: {  	v9 =	vbroadcast v9, $0x0;
	v15 =	vand.u32 $0xFFFFFFFD, v15;
	v11 =	vbroadcast v11, $0x0;
	v18 =	vld [tilespmem:s15+$0x1D0]  }
0x80: {  	v12 =	vbroadcast v12, $0x0;
	v13 =	vbroadcast v13, $0x0;
	v19 =	vmov s9;
	v20 =	vld [tilespmem:s15+$0x1E0]  }
0x81: {  	v15 =	vbroadcast v15, $0x0;
	v14 =	vbroadcast v14, $0x0;
	v21 =	vld [tilespmem:s15+$0x1F0]  }
0x82: {  	v3 =	vmul.f32 v3, v0;
	v2 =	vmul.f32 v2, v0;
	s15 =	sadd.s32 $0x400, s15;
	v10 =	vld.idx.msk [tilespmem:v10+s25+$0x0], $0xffff  }
0x83: {  	v8 =	vmul.f32 v8, v0;
	v0 =	vmul.f32 v7, v0;
	v22 =	vld [tilespmem:s15+$0x170]  }
0x84: {  	v5 =	vmul.f32 v5, v1;
	v7 =	vld [tilespmem:s15+$0xFFFFFE00];
	[tilespmem:s7+$0x130] =	vst v3;
	v3 =	vmul.f32 v6, v1  }
0x85: {  	v16 =	vmul.f32 v16, v1;
	v6 =	vld.idx.msk [tilespmem:v9+s25+$0x0], $0xffff;
	[tilespmem:s7+$0x140] =	vst v2;
	v9 =	vmul.f32 v4, v1  }
0x86: {  	v11 =	vld.idx.msk [tilespmem:v11+s25+$0x0], $0xffff;
	[tilespmem:s7+$0x150] =	vst v8;
	v8 =	vmul.f32 v17, v1;
	v17 =	vmul.f32 v18, v1  }
0x87: {  	v18 =	vmul.f32 v20, v1;
	v20 =	vmul.f32 v21, v1;
	v12 =	vld.idx.msk [tilespmem:v12+s25+$0x0], $0xffff;
	[tilespmem:s7+$0x160] =	vst v0  }
0x88: {  	v0 =	vmov v10;
	v4 =	vld.idx.msk [tilespmem:v13+s25+$0x0], $0xffff;
	v1 =	vmul.f32 v22, v10;
	[tilespmem:s7+$0x180] =	vst v3  }
0x89: {  	v3 =	vld.idx.msk [tilespmem:v14+s25+$0x0], $0xffff;
	[tilespmem:s7+$0x190] =	vst v5  }
0x8a: {  	v2 =	vld.idx.msk [tilespmem:v15+s25+$0x0], $0xffff;
	[tilespmem:s15+$0x170] =	vst v1  }
0x8b: {  	v5 =	vmul.f32 v7, v6;
	v1 =	vld.idx.msk [tilespmem:v19+s25+$0x0], $0xffff;
	[tilespmem:s7+$0x1A0] =	vst v9  }
0x8c: {  	v7 =	vld [tilespmem:s15+$0xFFFFFE10];
	[tilespmem:s7+$0x1B0] =	vst v16  }
0x8d: {  	[tilespmem:s15+$0xFFFFFE00] =	vst v5;
	v5 =	vld [tilespmem:s15+$0xFFFFFE20]  }
0x8e: {  	v9 =	vld [tilespmem:s15+$0xFFFFFE30];
	[tilespmem:s7+$0x1C0] =	vst v8  }
0x8f: {  	v8 =	vld [tilespmem:s15+$0xFFFFFE40];
	[tilespmem:s7+$0x1D0] =	vst v17  }
0x90: {  	v10 =	vld [tilespmem:s15+$0xFFFFFE50];
	[tilespmem:s7+$0x1E0] =	vst v18  }
0x91: {  	v7 =	vmul.f32 v7, v6;
	v13 =	vld [tilespmem:s15+$0xFFFFFE60];
	[tilespmem:s7+$0x1F0] =	vst v20;
	s7 =	smov.u32 s15  }
0x92: {  	v5 =	vmul.f32 v5, v6;
	v14 =	vld [tilespmem:s15+$0xFFFFFE70]  }
0x93: {  	[tilespmem:s15+$0xFFFFFE10] =	vst v7;
	v7 =	vmul.f32 v9, v6;
	v9 =	vld [tilespmem:s15+$0xFFFFFE80]  }
0x94: {  	[tilespmem:s15+$0xFFFFFE20] =	vst v5;
	v5 =	vmul.f32 v8, v6;
	v8 =	vld [tilespmem:s15+$0xFFFFFE90]  }
0x95: {  	[tilespmem:s15+$0xFFFFFE30] =	vst v7;
	v7 =	vmul.f32 v10, v6;
	v10 =	vld [tilespmem:s15+$0xFFFFFEA0]  }
0x96: {  	[tilespmem:s15+$0xFFFFFE40] =	vst v5;
	v5 =	vmul.f32 v13, v6;
	v13 =	vld [tilespmem:s15+$0xFFFFFEB0]  }
0x97: {  	[tilespmem:s15+$0xFFFFFE50] =	vst v7;
	v6 =	vmul.f32 v14, v6;
	v7 =	vld [tilespmem:s15+$0xFFFFFEC0]  }
0x98: {  	[tilespmem:s15+$0xFFFFFE60] =	vst v5;
	v5 =	vmul.f32 v9, v11;
	v9 =	vld [tilespmem:s15+$0xFFFFFED0]  }
0x99: {  	[tilespmem:s15+$0xFFFFFE70] =	vst v6;
	v6 =	vmul.f32 v8, v11;
	v8 =	vld [tilespmem:s15+$0xFFFFFEE0]  }
0x9a: {  	[tilespmem:s15+$0xFFFFFE80] =	vst v5;
	v5 =	vmul.f32 v10, v11;
	v10 =	vld [tilespmem:s15+$0xFFFFFEF0]  }
0x9b: {  	[tilespmem:s15+$0xFFFFFE90] =	vst v6;
	v6 =	vmul.f32 v13, v11;
	v13 =	vld [tilespmem:s15+$0xFFFFFF00]  }
0x9c: {  	[tilespmem:s15+$0xFFFFFEA0] =	vst v5;
	v5 =	vmul.f32 v7, v11;
	v7 =	vld [tilespmem:s15+$0xFFFFFF10]  }
0x9d: {  	[tilespmem:s15+$0xFFFFFEB0] =	vst v6;
	v6 =	vmul.f32 v9, v11;
	v9 =	vld [tilespmem:s15+$0xFFFFFF20]  }
0x9e: {  	[tilespmem:s15+$0xFFFFFEC0] =	vst v5;
	v5 =	vmul.f32 v8, v11;
	v8 =	vld [tilespmem:s15+$0xFFFFFF30]  }
0x9f: {  	[tilespmem:s15+$0xFFFFFED0] =	vst v6;
	v6 =	vmul.f32 v10, v11;
	v10 =	vld [tilespmem:s15+$0xFFFFFF40]  }
0xa0: {  	[tilespmem:s15+$0xFFFFFEE0] =	vst v5;
	v5 =	vmul.f32 v13, v12;
	v11 =	vld [tilespmem:s15+$0xFFFFFF50]  }
0xa1: {  	[tilespmem:s15+$0xFFFFFEF0] =	vst v6;
	v6 =	vmul.f32 v7, v12;
	v7 =	vld [tilespmem:s15+$0xFFFFFF60]  }
0xa2: {  	[tilespmem:s15+$0xFFFFFF00] =	vst v5;
	v5 =	vmul.f32 v9, v12;
	v9 =	vld [tilespmem:s15+$0xFFFFFF70]  }
0xa3: {  	[tilespmem:s15+$0xFFFFFF10] =	vst v6;
	v6 =	vmul.f32 v8, v12;
	v8 =	vld [tilespmem:s15+$0xFFFFFF80]  }
0xa4: {  	[tilespmem:s15+$0xFFFFFF20] =	vst v5;
	v5 =	vmul.f32 v10, v12;
	v10 =	vld [tilespmem:s15+$0xFFFFFF90]  }
0xa5: {  	[tilespmem:s15+$0xFFFFFF30] =	vst v6;
	v6 =	vmul.f32 v11, v12;
	v11 =	vld [tilespmem:s15+$0xFFFFFFA0]  }
0xa6: {  	[tilespmem:s15+$0xFFFFFF40] =	vst v5;
	v5 =	vmul.f32 v7, v12;
	v7 =	vld [tilespmem:s15+$0xFFFFFFB0]  }
0xa7: {  	[tilespmem:s15+$0xFFFFFF50] =	vst v6;
	v6 =	vmul.f32 v9, v12;
	v9 =	vld [tilespmem:s15+$0xFFFFFFC0]  }
0xa8: {  	[tilespmem:s15+$0xFFFFFF60] =	vst v5;
	v5 =	vmul.f32 v8, v4;
	v8 =	vld [tilespmem:s15+$0xFFFFFFD0]  }
0xa9: {  	[tilespmem:s15+$0xFFFFFF70] =	vst v6;
	v6 =	vmul.f32 v10, v4;
	v10 =	vld [tilespmem:s15+$0xFFFFFFE0]  }
0xaa: {  	[tilespmem:s15+$0xFFFFFF80] =	vst v5;
	v5 =	vmul.f32 v11, v4;
	v11 =	vld [tilespmem:s15+$0xFFFFFFF0]  }
0xab: {  	[tilespmem:s15+$0xFFFFFF90] =	vst v6;
	v6 =	vmul.f32 v7, v4;
	v7 =	vld [tilespmem:s15+$0x0]  }
0xac: {  	[tilespmem:s15+$0xFFFFFFA0] =	vst v5;
	v5 =	vmul.f32 v9, v4;
	v9 =	vld [tilespmem:s15+$0x10]  }
0xad: {  	[tilespmem:s15+$0xFFFFFFB0] =	vst v6;
	v6 =	vmul.f32 v8, v4;
	v8 =	vld [tilespmem:s15+$0x20]  }
0xae: {  	[tilespmem:s15+$0xFFFFFFC0] =	vst v5;
	v5 =	vmul.f32 v10, v4;
	v10 =	vld [tilespmem:s15+$0x30]  }
0xaf: {  	[tilespmem:s15+$0xFFFFFFD0] =	vst v6;
	v4 =	vmul.f32 v11, v4;
	v6 =	vld [tilespmem:s15+$0x40]  }
0xb0: {  	[tilespmem:s15+$0xFFFFFFE0] =	vst v5;
	v5 =	vmul.f32 v7, v3;
	v7 =	vld [tilespmem:s15+$0x50]  }
0xb1: {  	[tilespmem:s15+$0xFFFFFFF0] =	vst v4;
	v4 =	vmul.f32 v9, v3;
	v9 =	vld [tilespmem:s15+$0x60]  }
0xb2: {  	[tilespmem:s15+$0x0] =	vst v5;
	v5 =	vmul.f32 v8, v3;
	v8 =	vld [tilespmem:s15+$0x70]  }
0xb3: {  	[tilespmem:s15+$0x10] =	vst v4;
	v4 =	vmul.f32 v10, v3;
	v10 =	vld [tilespmem:s15+$0x80]  }
0xb4: {  	[tilespmem:s15+$0x20] =	vst v5;
	v5 =	vmul.f32 v6, v3;
	v6 =	vld [tilespmem:s15+$0x90]  }
0xb5: {  	[tilespmem:s15+$0x30] =	vst v4;
	v4 =	vmul.f32 v7, v3;
	v7 =	vld [tilespmem:s15+$0xA0]  }
0xb6: {  	[tilespmem:s15+$0x40] =	vst v5;
	v5 =	vmul.f32 v9, v3;
	v9 =	vld [tilespmem:s15+$0xB0]  }
0xb7: {  	[tilespmem:s15+$0x50] =	vst v4;
	v3 =	vmul.f32 v8, v3;
	v4 =	vld [tilespmem:s15+$0xC0]  }
0xb8: {  	[tilespmem:s15+$0x60] =	vst v5;
	v5 =	vmul.f32 v10, v2;
	v8 =	vld [tilespmem:s15+$0xD0]  }
0xb9: {  	[tilespmem:s15+$0x70] =	vst v3;
	v3 =	vmul.f32 v6, v2;
	v10 =	vld [tilespmem:s15+$0xE0]  }
0xba: {  	[tilespmem:s15+$0x80] =	vst v5;
	v5 =	vmul.f32 v7, v2;
	v7 =	vld [tilespmem:s15+$0xF0]  }
.Ltmp0:
0xbb: {  	[tilespmem:s15+$0x90] =	vst v3;
	v3 =	vmul.f32 v9, v2;
	v6 =	vld [tilespmem:s15+$0x100];
	(pc) =	sbr.rel @p1 .LBB2_3-.Ltmp0, $4  }
0xbc: {  	[tilespmem:s15+$0xA0] =	vst v5;
	v9 =	vmul.f32 v4, v2;
	v5 =	vld [tilespmem:s15+$0x110]  }
0xbd: {  	[tilespmem:s15+$0xB0] =	vst v3;
	v11 =	vmul.f32 v8, v2;
	v4 =	vld [tilespmem:s15+$0x120]  }
0xbe: {  	[tilespmem:s15+$0xC0] =	vst v9;
	v8 =	vmul.f32 v10, v2;
	v3 =	vld [tilespmem:s15+$0x130]  }
0xbf: {  	[tilespmem:s15+$0xD0] =	vst v11;
	v7 =	vmul.f32 v7, v2;
	v2 =	vld [tilespmem:s15+$0x140]  }
0xc0: {  	v9 =	vld [tilespmem:s15+$0x150];
	[tilespmem:s15+$0xE0] =	vst v8;
	v6 =	vmul.f32 v6, v0  }
0xc1: {  	v8 =	vld [tilespmem:s15+$0x160];
	[tilespmem:s15+$0xF0] =	vst v7;
	v5 =	vmul.f32 v5, v0  }
0xc2: {  	v7 =	vld [tilespmem:s15+$0x180];
	[tilespmem:s15+$0x100] =	vst v6;
	v4 =	vmul.f32 v4, v0  }
0xc3: {  	v6 =	vld [tilespmem:s15+$0x190];
	[tilespmem:s15+$0x110] =	vst v5;
	v3 =	vmul.f32 v3, v0  }
0xc4: {  	v5 =	vld [tilespmem:s15+$0x1A0];
	[tilespmem:s15+$0x120] =	vst v4;
	v2 =	vmul.f32 v2, v0  }
0xc5: {  	v10 =	vld [tilespmem:s15+$0x1C0];
	v9 =	vmul.f32 v9, v0;
	[tilespmem:s7+$0x130] =	vst v3  }
0xc6: {  	v4 =	vld [tilespmem:s15+$0x1B0];
	v0 =	vmul.f32 v8, v0;
	[tilespmem:s7+$0x140] =	vst v2  }
0xc7: {  	v3 =	vld [tilespmem:s15+$0x1D0];
	v7 =	vmul.f32 v7, v1;
	[tilespmem:s7+$0x150] =	vst v9  }
0xc8: {  	v2 =	vld [tilespmem:s15+$0x1E0];
	v6 =	vmul.f32 v6, v1;
	[tilespmem:s7+$0x160] =	vst v0  }
0xc9: {  	v8 =	vld [tilespmem:s15+$0x1F0];
	v0 =	vmul.f32 v5, v1;
	[tilespmem:s7+$0x180] =	vst v7  }
0xca: {  	v5 =	vmul.f32 v10, v1;
	[tilespmem:s7+$0x190] =	vst v6  }
0xcb: {  	v4 =	vmul.f32 v4, v1;
	[tilespmem:s7+$0x1A0] =	vst v0  }
0xcc: {  	v0 =	vmul.f32 v3, v1;
	[tilespmem:s7+$0x1C0] =	vst v5  }
0xcd: {  	[tilespmem:s7+$0x1B0] =	vst v4;
	v2 =	vmul.f32 v2, v1  }
0xce: {  	v1 =	vmul.f32 v8, v1;
	[tilespmem:s7+$0x1D0] =	vst v0  }
0xcf: {  	[tilespmem:s7+$0x1E0] =	vst v2  }
0xd0: {  	[tilespmem:s7+$0x1F0] =	vst v1  }
0xd1: {  	[spmem:s3] =	stream.indirect.scatter.add.f32 [tilespmem:s21], [sflag:$0x3], $0x80, s26, s20, $0xb8;
	[tilespmem:$0x1B200] =	vst v63  }
0xd2: {  	s1 =	sadd.s32 s1, s11;
	_ =	swait.ge [sflag:s16], $0x2800  }
0xd3: {  	s1 =	sshrl.u32 s1, $0x3;
	s7 =	sadd.s32 $0xFFFFFFF8, s31;
	[sflag:s16] =	ssyncset.done $0x0  }
0xd4: {  	s1 =	sadd.s32 s5, s1;
	s9 =	sadd.s32 $0x60, s7;
	[sflag:s16] =	ssyncadd.s32 $0xFFFFD800  }
0xd5: {  	[tilespmem:s4], [sflag:$0x3] =	stream.linear.gather [hbm4b:s1+s4], $0x100, $0x38;
	[tilespmem:$0x1B200] =	vst v63  }
0xd6: {  	s10 =	sadd.s32 $0x66, s7;
	v0 =	vmov s9;
	_ =	swait.ge [sflag:s16], $0x100  }
0xd7: {  	v1 =	vmov s10;
	v0 =	vand.u32 $0xFFFFFFF8, v0;
	[sflag:s16] =	ssyncset.done $0x0  }
0xd8: {  	s8 =	sadd.s32 $0x61, s7;
	v1 =	vand.u32 $0xFFFFFFFE, v1;
	v0 =	vbroadcast v0, $0x0;
	[sflag:s16] =	ssyncadd.s32 $0xFFFFFF00  }
0xd9: {  	v1 =	vbroadcast v1, $0x0;
	[tilespmem:s21], [sflag:$0x1] =	stream.indirect.gather [hbm4b:s2+s20], $0x80, s4, s20, $0xb8;
	[tilespmem:$0x1B200] =	vst v63  }
0xda: {  	v2 =	vmov s8;
	_ =	swait.ge [sflag:s28], $0x2800  }
0xdb: {  	v2 =	vand.u32 $0xFFFFFFF9, v2;
	[sflag:s28] =	ssyncset.done $0x0  }
0xdc: {  	v2 =	vbroadcast v2, $0x0;
	s1 =	simm.s32 $0x5380;
	[sflag:s28] =	ssyncadd.s32 $0xFFFFD800  }
0xdd: {  	v3 =	vld [tilespmem:s1+$0xFFFFFE00]  }
0xde: {  	v4 =	vld.idx.msk [tilespmem:v0+s25+$0x0], $0xffff  }
0xdf: {  	v0 =	vld.idx.msk [tilespmem:v1+s25+$0x0], $0xffff  }
0xe0: {  	v1 =	vld [tilespmem:s1+$0x170]  }
0xe1: {  	v5 =	vld [tilespmem:s1+$0xFFFFFE10]  }
0xe2: {  	v2 =	vld.idx.msk [tilespmem:v2+s25+$0x0], $0xffff  }
0xe3: {  	v6 =	vld [tilespmem:s1+$0xFFFFFE30]  }
0xe4: {  	s12 =	sadd.s32 $0x62, s7;
	v7 =	vld [tilespmem:s1+$0xFFFFFE40]  }
0xe5: {  	v10 =	vmov s12;
	v8 =	vld [tilespmem:s1+$0xFFFFFE50]  }
0xe6: {  	v10 =	vand.u32 $0xFFFFFFFA, v10;
	v9 =	vld [tilespmem:s1+$0xFFFFFE60]  }
0xe7: {  	v10 =	vbroadcast v10, $0x0;
	v11 =	vld [tilespmem:s1+$0xFFFFFE70]  }
0xe8: {  	v12 =	vld [tilespmem:s1+$0xFFFFFE80]  }
0xe9: {  	v13 =	vld [tilespmem:s1+$0xFFFFFE90]  }
0xea: {  	v14 =	vld [tilespmem:s1+$0xFFFFFEA0];
	v3 =	vmul.f32 v3, v4  }
0xeb: {  	v15 =	vld [tilespmem:s1+$0xFFFFFEB0];
	v1 =	vmul.f32 v1, v0  }
0xec: {  	v55 =	vld [tilespmem:s1+$0xFFFFFED0];
	v7 =	vmul.f32 v7, v4;
	[tilespmem:s1+$0xFFFFFE00] =	vst v3  }
0xed: {  	v10 =	vld.idx.msk [tilespmem:v10+s25+$0x0], $0xffff;
	v5 =	vmul.f32 v5, v4;
	[tilespmem:s1+$0x170] =	vst v1  }
0xee: {  	v3 =	vld [tilespmem:s1+$0xFFFFFE20];
	[tilespmem:s1+$0xFFFFFE40] =	vst v7;
	v7 =	vmul.f32 v9, v4  }
0xef: {  	v56 =	vld [tilespmem:s1+$0xFFFFFF30];
	v6 =	vmul.f32 v6, v4;
	[tilespmem:s1+$0xFFFFFE10] =	vst v5  }
0xf0: {  	v57 =	vld [tilespmem:s1+$0xFFFFFF40];
	[tilespmem:s1+$0xFFFFFE60] =	vst v7;
	v7 =	vmul.f32 v13, v2  }
0xf1: {  	v58 =	vld [tilespmem:s1+$0xFFFFFFB0];
	v5 =	vmul.f32 v12, v2;
	[tilespmem:s1+$0xFFFFFE30] =	vst v6  }
0xf2: {  	s13 =	sadd.s32 $0x63, s7;
	v59 =	vld [tilespmem:s1+$0xFFFFFFC0];
	[tilespmem:s1+$0xFFFFFE90] =	vst v7;
	v7 =	vmul.f32 v15, v2  }
0xf3: {  	v9 =	vld [tilespmem:s1+$0xFFFFFF00];
	[tilespmem:s1+$0xFFFFFE80] =	vst v5;
	v5 =	vmov s13;
	v1 =	vmul.f32 v3, v4  }
0xf4: {  	v6 =	vmul.f32 v8, v4;
	v5 =	vand.u32 $0xFFFFFFFB, v5;
	v3 =	vld [tilespmem:s1+$0xFFFFFEC0];
	v4 =	vmul.f32 v11, v4;
	[tilespmem:s1+$0xFFFFFEB0] =	vst v7  }
0xf5: {  	v5 =	vbroadcast v5, $0x0;
	v7 =	vld [tilespmem:s1+$0xFFFFFF60];
	[tilespmem:s1+$0xFFFFFE20] =	vst v1  }
0xf6: {  	v1 =	vld [tilespmem:s1+$0xFFFFFEE0];
	[tilespmem:s1+$0xFFFFFE70] =	vst v4;
	v4 =	vmul.f32 v14, v2  }
0xf7: {  	v8 =	vld [tilespmem:s1+$0xFFFFFEF0];
	v12 =	vmul.f32 v55, v2;
	[tilespmem:s1+$0xFFFFFE50] =	vst v6  }
0xf8: {  	v6 =	vld [tilespmem:s1+$0xFFFFFF10];
	[tilespmem:s1+$0xFFFFFEA0] =	vst v4;
	v4 =	vmul.f32 v9, v10  }
0xf9: {  	[tilespmem:s1+$0xFFFFFED0] =	vst v12;
	v11 =	vld [tilespmem:s1+$0xFFFFFF20];
	v3 =	vmul.f32 v3, v2  }
0xfa: {  	v9 =	vld [tilespmem:s1+$0xFFFFFF50];
	[tilespmem:s1+$0xFFFFFF00] =	vst v4;
	v7 =	vmul.f32 v7, v10  }
0xfb: {  	s14 =	sadd.s32 $0x64, s7;
	v5 =	vld.idx.msk [tilespmem:v5+s25+$0x0], $0xffff;
	[tilespmem:s1+$0xFFFFFEC0] =	vst v3;
	v1 =	vmul.f32 v1, v2  }
0xfc: {  	v4 =	vmov s14;
	v3 =	vld [tilespmem:s1+$0xFFFFFF70];
	v2 =	vmul.f32 v8, v2;
	[tilespmem:s1+$0xFFFFFF60] =	vst v7  }
0xfd: {  	v4 =	vand.u32 $0xFFFFFFFC, v4;
	v8 =	vld [tilespmem:s1+$0xFFFFFF80];
	[tilespmem:s1+$0xFFFFFEE0] =	vst v1;
	v1 =	vmul.f32 v6, v10  }
0xfe: {  	v60 =	vld [tilespmem:s1+$0x30];
	v4 =	vbroadcast v4, $0x0;
	[tilespmem:s1+$0xFFFFFEF0] =	vst v2;
	v2 =	vmul.f32 v11, v10  }
0xff: {  	v6 =	vld [tilespmem:s1+$0xFFFFFF90];
	v9 =	vmul.f32 v9, v10;
	[tilespmem:s1+$0xFFFFFF10] =	vst v1  }
0x100: {  	v11 =	vld [tilespmem:s1+$0xFFFFFFA0];
	v1 =	vmul.f32 v56, v10;
	[tilespmem:s1+$0xFFFFFF20] =	vst v2  }
0x101: {  	v7 =	vld [tilespmem:s1+$0x0];
	v2 =	vmul.f32 v57, v10;
	[tilespmem:s1+$0xFFFFFF50] =	vst v9  }
0x102: {  	v3 =	vmul.f32 v3, v10;
	v10 =	vld [tilespmem:s1+$0x10];
	[tilespmem:s1+$0xFFFFFF30] =	vst v1;
	v1 =	vmul.f32 v8, v5  }
0x103: {  	s15 =	sadd.s32 $0x65, s7;
	[tilespmem:s1+$0xFFFFFF40] =	vst v2;
	v2 =	vld [tilespmem:s1+$0xFFFFFFE0]  }
0x104: {  	v4 =	vld.idx.msk [tilespmem:v4+s25+$0x0], $0xffff;
	v6 =	vmul.f32 v6, v5;
	[tilespmem:s1+$0xFFFFFF80] =	vst v1;
	v1 =	vmov s15  }
0x105: {  	v8 =	vld [tilespmem:s1+$0xFFFFFFD0];
	[tilespmem:s1+$0xFFFFFF70] =	vst v3;
	v3 =	vmul.f32 v11, v5;
	v1 =	vand.u32 $0xFFFFFFFD, v1  }
0x106: {  	v62 =	vld [tilespmem:s1+$0xD0];
	[tilespmem:s1+$0xFFFFFF90] =	vst v6;
	v6 =	vmul.f32 v58, v5;
	v1 =	vbroadcast v1, $0x0  }
0x107: {  	v9 =	vld [tilespmem:s1+$0xFFFFFFF0];
	[tilespmem:s1+$0xFFFFFFA0] =	vst v3;
	v3 =	vmul.f32 v59, v5  }
0x108: {  	v11 =	vld [tilespmem:s1+$0x20];
	[tilespmem:s1+$0xFFFFFFB0] =	vst v6;
	v2 =	vmul.f32 v2, v5  }
0x109: {  	[tilespmem:s1+$0xFFFFFFC0] =	vst v3;
	v3 =	vmul.f32 v7, v4;
	v7 =	vld [tilespmem:s1+$0x50]  }
0x10a: {  	v6 =	vmul.f32 v8, v5;
	v8 =	vld [tilespmem:s1+$0x40];
	[tilespmem:s1+$0xFFFFFFE0] =	vst v2;
	v2 =	vmul.f32 v10, v4  }
0x10b: {  	[tilespmem:s1+$0x0] =	vst v3;
	v3 =	vld [tilespmem:s1+$0x70]  }
0x10c: {  	[tilespmem:s1+$0x10] =	vst v2;
	v2 =	vmul.f32 v60, v4;
	v61 =	vld.idx.msk [tilespmem:v1+s25+$0x0], $0xffff  }
0x10d: {  	[tilespmem:s1+$0xFFFFFFD0] =	vst v6;
	v1 =	vmul.f32 v9, v5;
	v5 =	vld [tilespmem:s1+$0x80]  }
0x10e: {  	v6 =	vld [tilespmem:s1+$0x60];
	[tilespmem:s1+$0x30] =	vst v2;
	v2 =	vmul.f32 v7, v4  }
0x10f: {  	v9 =	vld [tilespmem:s1+$0x90];
	[tilespmem:s1+$0xFFFFFFF0] =	vst v1;
	v1 =	vmul.f32 v11, v4  }
0x110: {  	v7 =	vld [tilespmem:s1+$0xB0];
	[tilespmem:s1+$0x50] =	vst v2;
	v3 =	vmul.f32 v3, v4  }
0x111: {  	s7 =	sadd.s32 $0x67, s7;
	[tilespmem:s1+$0x20] =	vst v1;
	v1 =	vmul.f32 v8, v4;
	v8 =	vld [tilespmem:s1+$0xA0]  }
0x112: {  	v63 =	vld [tilespmem:s1+$0xE0];
	v10 =	vmov s7;
	v2 =	vmul.f32 v5, v61;
	[tilespmem:s1+$0x70] =	vst v3  }
0x113: {  	v11 =	vld [tilespmem:s1+$0xC0];
	[tilespmem:s1+$0x40] =	vst v1;
	v1 =	vmul.f32 v6, v4  }
0x114: {  	v5 =	vld [tilespmem:s1+$0x110];
	v4 =	vmul.f32 v9, v61;
	[tilespmem:s1+$0x80] =	vst v2  }
0x115: {  	v9 =	vld [tilespmem:s1+$0xF0];
	v3 =	vmul.f32 v7, v61;
	[tilespmem:s1+$0x60] =	vst v1  }
0x116: {  	v6 =	vld [tilespmem:s1+$0x100];
	[tilespmem:s1+$0x90] =	vst v4;
	v2 =	vmul.f32 v8, v61  }
0x117: {  	v7 =	vmul.f32 v62, v61;
	v1 =	vld.idx.msk [tilespmem:v10+s25+$0x0], $0xffff;
	[tilespmem:s1+$0xB0] =	vst v3  }
0x118: {  	v4 =	vld [tilespmem:s1+$0x120];
	[tilespmem:s1+$0xA0] =	vst v2;
	v2 =	vmul.f32 v11, v61  }
0x119: {  	v3 =	vld [tilespmem:s1+$0x130];
	[tilespmem:s1+$0xD0] =	vst v7;
	v8 =	vmul.f32 v63, v61  }
0x11a: {  	s8 =	simm.s32 $0x0;
	s7 =	simm.s32 $0x5380;
	v7 =	vmul.f32 v9, v61;
	[tilespmem:s1+$0xC0] =	vst v2;
	v2 =	vld [tilespmem:s1+$0x140]  }
.LBB2_5:
0x11b: {  	s9 =	sadd.s32 s8, s31;
	s8 =	sadd.s32 $0x8, s8;
	[tilespmem:s1+$0xE0] =	vst v8;
	v6 =	vmul.f32 v6, v0;
	v8 =	vld [tilespmem:s1+$0x150]  }
0x11c: {  	s10 =	sadd.s32 $0x60, s9;
	s12 =	sadd.s32 $0x66, s9;
	p1 =	slt.u32 s8, $0x48;
	[tilespmem:s1+$0xF0] =	vst v7;
	v5 =	vmul.f32 v5, v0;
	v7 =	vld [tilespmem:s1+$0x160]  }
0x11d: {  	s13 =	sadd.s32 $0x62, s9;
	s14 =	sadd.s32 $0x63, s9;
	v9 =	vmov s10;
	s10 =	sadd.s32 $0x61, s9;
	v10 =	vmov s12;
	[tilespmem:s1+$0x100] =	vst v6;
	v4 =	vmul.f32 v4, v0;
	v6 =	vld [tilespmem:s1+$0x180]  }
0x11e: {  	v12 =	vmov s13;
	s12 =	sadd.s32 $0x65, s9;
	v11 =	vmov s10;
	s10 =	sadd.s32 $0x64, s9;
	v10 =	vand.u32 $0xFFFFFFFE, v10;
	s9 =	sadd.s32 $0x67, s9;
	[tilespmem:s1+$0x110] =	vst v5;
	v5 =	vld [tilespmem:s1+$0x190]  }
0x11f: {  	v13 =	vmov s14;
	v14 =	vmov s10;
	v10 =	vbroadcast v10, $0x0;
	[tilespmem:s1+$0x120] =	vst v4;
	v4 =	vld [tilespmem:s1+$0x1A0]  }
0x120: {  	v9 =	vand.u32 $0xFFFFFFF8, v9;
	v15 =	vmov s12;
	v11 =	vand.u32 $0xFFFFFFF9, v11;
	v16 =	vld [tilespmem:s1+$0x1B0]  }
0x121: {  	v12 =	vand.u32 $0xFFFFFFFA, v12;
	v13 =	vand.u32 $0xFFFFFFFB, v13;
	v14 =	vand.u32 $0xFFFFFFFC, v14;
	v17 =	vld [tilespmem:s1+$0x1C0]  }
0x122: {  	v9 =	vbroadcast v9, $0x0;
	v15 =	vand.u32 $0xFFFFFFFD, v15;
	v11 =	vbroadcast v11, $0x0;
	v18 =	vld [tilespmem:s1+$0x1D0]  }
0x123: {  	v12 =	vbroadcast v12, $0x0;
	v13 =	vbroadcast v13, $0x0;
	v19 =	vmov s9;
	v20 =	vld [tilespmem:s1+$0x1E0]  }
0x124: {  	v15 =	vbroadcast v15, $0x0;
	v14 =	vbroadcast v14, $0x0;
	v21 =	vld [tilespmem:s1+$0x1F0]  }
0x125: {  	v3 =	vmul.f32 v3, v0;
	v2 =	vmul.f32 v2, v0;
	s1 =	sadd.s32 $0x400, s1;
	v10 =	vld.idx.msk [tilespmem:v10+s25+$0x0], $0xffff  }
0x126: {  	v8 =	vmul.f32 v8, v0;
	v0 =	vmul.f32 v7, v0;
	v22 =	vld [tilespmem:s1+$0x170]  }
0x127: {  	v5 =	vmul.f32 v5, v1;
	v7 =	vld [tilespmem:s1+$0xFFFFFE00];
	[tilespmem:s7+$0x130] =	vst v3;
	v3 =	vmul.f32 v6, v1  }
0x128: {  	v16 =	vmul.f32 v16, v1;
	v6 =	vld.idx.msk [tilespmem:v9+s25+$0x0], $0xffff;
	[tilespmem:s7+$0x140] =	vst v2;
	v9 =	vmul.f32 v4, v1  }
0x129: {  	v11 =	vld.idx.msk [tilespmem:v11+s25+$0x0], $0xffff;
	[tilespmem:s7+$0x150] =	vst v8;
	v8 =	vmul.f32 v17, v1;
	v17 =	vmul.f32 v18, v1  }
0x12a: {  	v18 =	vmul.f32 v20, v1;
	v20 =	vmul.f32 v21, v1;
	v12 =	vld.idx.msk [tilespmem:v12+s25+$0x0], $0xffff;
	[tilespmem:s7+$0x160] =	vst v0  }
0x12b: {  	v0 =	vmov v10;
	v4 =	vld.idx.msk [tilespmem:v13+s25+$0x0], $0xffff;
	v1 =	vmul.f32 v22, v10;
	[tilespmem:s7+$0x180] =	vst v3  }
0x12c: {  	v3 =	vld.idx.msk [tilespmem:v14+s25+$0x0], $0xffff;
	[tilespmem:s7+$0x190] =	vst v5  }
0x12d: {  	v2 =	vld.idx.msk [tilespmem:v15+s25+$0x0], $0xffff;
	[tilespmem:s1+$0x170] =	vst v1  }
0x12e: {  	v5 =	vmul.f32 v7, v6;
	v1 =	vld.idx.msk [tilespmem:v19+s25+$0x0], $0xffff;
	[tilespmem:s7+$0x1A0] =	vst v9  }
0x12f: {  	v7 =	vld [tilespmem:s1+$0xFFFFFE10];
	[tilespmem:s7+$0x1B0] =	vst v16  }
0x130: {  	[tilespmem:s1+$0xFFFFFE00] =	vst v5;
	v5 =	vld [tilespmem:s1+$0xFFFFFE20]  }
0x131: {  	v9 =	vld [tilespmem:s1+$0xFFFFFE30];
	[tilespmem:s7+$0x1C0] =	vst v8  }
0x132: {  	v8 =	vld [tilespmem:s1+$0xFFFFFE40];
	[tilespmem:s7+$0x1D0] =	vst v17  }
0x133: {  	v10 =	vld [tilespmem:s1+$0xFFFFFE50];
	[tilespmem:s7+$0x1E0] =	vst v18  }
0x134: {  	v7 =	vmul.f32 v7, v6;
	v13 =	vld [tilespmem:s1+$0xFFFFFE60];
	[tilespmem:s7+$0x1F0] =	vst v20;
	s7 =	smov.u32 s1  }
0x135: {  	v5 =	vmul.f32 v5, v6;
	v14 =	vld [tilespmem:s1+$0xFFFFFE70]  }
0x136: {  	[tilespmem:s1+$0xFFFFFE10] =	vst v7;
	v7 =	vmul.f32 v9, v6;
	v9 =	vld [tilespmem:s1+$0xFFFFFE80]  }
0x137: {  	[tilespmem:s1+$0xFFFFFE20] =	vst v5;
	v5 =	vmul.f32 v8, v6;
	v8 =	vld [tilespmem:s1+$0xFFFFFE90]  }
0x138: {  	[tilespmem:s1+$0xFFFFFE30] =	vst v7;
	v7 =	vmul.f32 v10, v6;
	v10 =	vld [tilespmem:s1+$0xFFFFFEA0]  }
0x139: {  	[tilespmem:s1+$0xFFFFFE40] =	vst v5;
	v5 =	vmul.f32 v13, v6;
	v13 =	vld [tilespmem:s1+$0xFFFFFEB0]  }
0x13a: {  	[tilespmem:s1+$0xFFFFFE50] =	vst v7;
	v6 =	vmul.f32 v14, v6;
	v7 =	vld [tilespmem:s1+$0xFFFFFEC0]  }
0x13b: {  	[tilespmem:s1+$0xFFFFFE60] =	vst v5;
	v5 =	vmul.f32 v9, v11;
	v9 =	vld [tilespmem:s1+$0xFFFFFED0]  }
0x13c: {  	[tilespmem:s1+$0xFFFFFE70] =	vst v6;
	v6 =	vmul.f32 v8, v11;
	v8 =	vld [tilespmem:s1+$0xFFFFFEE0]  }
0x13d: {  	[tilespmem:s1+$0xFFFFFE80] =	vst v5;
	v5 =	vmul.f32 v10, v11;
	v10 =	vld [tilespmem:s1+$0xFFFFFEF0]  }
0x13e: {  	[tilespmem:s1+$0xFFFFFE90] =	vst v6;
	v6 =	vmul.f32 v13, v11;
	v13 =	vld [tilespmem:s1+$0xFFFFFF00]  }
0x13f: {  	[tilespmem:s1+$0xFFFFFEA0] =	vst v5;
	v5 =	vmul.f32 v7, v11;
	v7 =	vld [tilespmem:s1+$0xFFFFFF10]  }
0x140: {  	[tilespmem:s1+$0xFFFFFEB0] =	vst v6;
	v6 =	vmul.f32 v9, v11;
	v9 =	vld [tilespmem:s1+$0xFFFFFF20]  }
0x141: {  	[tilespmem:s1+$0xFFFFFEC0] =	vst v5;
	v5 =	vmul.f32 v8, v11;
	v8 =	vld [tilespmem:s1+$0xFFFFFF30]  }
0x142: {  	[tilespmem:s1+$0xFFFFFED0] =	vst v6;
	v6 =	vmul.f32 v10, v11;
	v10 =	vld [tilespmem:s1+$0xFFFFFF40]  }
0x143: {  	[tilespmem:s1+$0xFFFFFEE0] =	vst v5;
	v5 =	vmul.f32 v13, v12;
	v11 =	vld [tilespmem:s1+$0xFFFFFF50]  }
0x144: {  	[tilespmem:s1+$0xFFFFFEF0] =	vst v6;
	v6 =	vmul.f32 v7, v12;
	v7 =	vld [tilespmem:s1+$0xFFFFFF60]  }
0x145: {  	[tilespmem:s1+$0xFFFFFF00] =	vst v5;
	v5 =	vmul.f32 v9, v12;
	v9 =	vld [tilespmem:s1+$0xFFFFFF70]  }
0x146: {  	[tilespmem:s1+$0xFFFFFF10] =	vst v6;
	v6 =	vmul.f32 v8, v12;
	v8 =	vld [tilespmem:s1+$0xFFFFFF80]  }
0x147: {  	[tilespmem:s1+$0xFFFFFF20] =	vst v5;
	v5 =	vmul.f32 v10, v12;
	v10 =	vld [tilespmem:s1+$0xFFFFFF90]  }
0x148: {  	[tilespmem:s1+$0xFFFFFF30] =	vst v6;
	v6 =	vmul.f32 v11, v12;
	v11 =	vld [tilespmem:s1+$0xFFFFFFA0]  }
0x149: {  	[tilespmem:s1+$0xFFFFFF40] =	vst v5;
	v5 =	vmul.f32 v7, v12;
	v7 =	vld [tilespmem:s1+$0xFFFFFFB0]  }
0x14a: {  	[tilespmem:s1+$0xFFFFFF50] =	vst v6;
	v6 =	vmul.f32 v9, v12;
	v9 =	vld [tilespmem:s1+$0xFFFFFFC0]  }
0x14b: {  	[tilespmem:s1+$0xFFFFFF60] =	vst v5;
	v5 =	vmul.f32 v8, v4;
	v8 =	vld [tilespmem:s1+$0xFFFFFFD0]  }
0x14c: {  	[tilespmem:s1+$0xFFFFFF70] =	vst v6;
	v6 =	vmul.f32 v10, v4;
	v10 =	vld [tilespmem:s1+$0xFFFFFFE0]  }
0x14d: {  	[tilespmem:s1+$0xFFFFFF80] =	vst v5;
	v5 =	vmul.f32 v11, v4;
	v11 =	vld [tilespmem:s1+$0xFFFFFFF0]  }
0x14e: {  	[tilespmem:s1+$0xFFFFFF90] =	vst v6;
	v6 =	vmul.f32 v7, v4;
	v7 =	vld [tilespmem:s1+$0x0]  }
0x14f: {  	[tilespmem:s1+$0xFFFFFFA0] =	vst v5;
	v5 =	vmul.f32 v9, v4;
	v9 =	vld [tilespmem:s1+$0x10]  }
0x150: {  	[tilespmem:s1+$0xFFFFFFB0] =	vst v6;
	v6 =	vmul.f32 v8, v4;
	v8 =	vld [tilespmem:s1+$0x20]  }
0x151: {  	[tilespmem:s1+$0xFFFFFFC0] =	vst v5;
	v5 =	vmul.f32 v10, v4;
	v10 =	vld [tilespmem:s1+$0x30]  }
0x152: {  	[tilespmem:s1+$0xFFFFFFD0] =	vst v6;
	v4 =	vmul.f32 v11, v4;
	v6 =	vld [tilespmem:s1+$0x40]  }
0x153: {  	[tilespmem:s1+$0xFFFFFFE0] =	vst v5;
	v5 =	vmul.f32 v7, v3;
	v7 =	vld [tilespmem:s1+$0x50]  }
0x154: {  	[tilespmem:s1+$0xFFFFFFF0] =	vst v4;
	v4 =	vmul.f32 v9, v3;
	v9 =	vld [tilespmem:s1+$0x60]  }
0x155: {  	[tilespmem:s1+$0x0] =	vst v5;
	v5 =	vmul.f32 v8, v3;
	v8 =	vld [tilespmem:s1+$0x70]  }
0x156: {  	[tilespmem:s1+$0x10] =	vst v4;
	v4 =	vmul.f32 v10, v3;
	v10 =	vld [tilespmem:s1+$0x80]  }
0x157: {  	[tilespmem:s1+$0x20] =	vst v5;
	v5 =	vmul.f32 v6, v3;
	v6 =	vld [tilespmem:s1+$0x90]  }
0x158: {  	[tilespmem:s1+$0x30] =	vst v4;
	v4 =	vmul.f32 v7, v3;
	v7 =	vld [tilespmem:s1+$0xA0]  }
0x159: {  	[tilespmem:s1+$0x40] =	vst v5;
	v5 =	vmul.f32 v9, v3;
	v9 =	vld [tilespmem:s1+$0xB0]  }
0x15a: {  	[tilespmem:s1+$0x50] =	vst v4;
	v3 =	vmul.f32 v8, v3;
	v4 =	vld [tilespmem:s1+$0xC0]  }
0x15b: {  	[tilespmem:s1+$0x60] =	vst v5;
	v5 =	vmul.f32 v10, v2;
	v8 =	vld [tilespmem:s1+$0xD0]  }
0x15c: {  	[tilespmem:s1+$0x70] =	vst v3;
	v3 =	vmul.f32 v6, v2;
	v10 =	vld [tilespmem:s1+$0xE0]  }
0x15d: {  	[tilespmem:s1+$0x80] =	vst v5;
	v5 =	vmul.f32 v7, v2;
	v7 =	vld [tilespmem:s1+$0xF0]  }
.Ltmp1:
0x15e: {  	[tilespmem:s1+$0x90] =	vst v3;
	v3 =	vmul.f32 v9, v2;
	v6 =	vld [tilespmem:s1+$0x100];
	(pc) =	sbr.rel @p1 .LBB2_5-.Ltmp1, $4  }
0x15f: {  	[tilespmem:s1+$0xA0] =	vst v5;
	v9 =	vmul.f32 v4, v2;
	v5 =	vld [tilespmem:s1+$0x110]  }
0x160: {  	[tilespmem:s1+$0xB0] =	vst v3;
	v11 =	vmul.f32 v8, v2;
	v4 =	vld [tilespmem:s1+$0x120]  }
0x161: {  	[tilespmem:s1+$0xC0] =	vst v9;
	v8 =	vmul.f32 v10, v2;
	v3 =	vld [tilespmem:s1+$0x130]  }
0x162: {  	[tilespmem:s1+$0xD0] =	vst v11;
	v7 =	vmul.f32 v7, v2;
	v2 =	vld [tilespmem:s1+$0x140]  }
0x163: {  	v9 =	vld [tilespmem:s1+$0x150];
	[tilespmem:s1+$0xE0] =	vst v8;
	v6 =	vmul.f32 v6, v0  }
0x164: {  	v51 =	vld [tilespmem:s1+$0x160];
	[tilespmem:s1+$0xF0] =	vst v7;
	v5 =	vmul.f32 v5, v0  }
0x165: {  	v52 =	vld [tilespmem:s1+$0x180];
	[tilespmem:s1+$0x100] =	vst v6;
	v4 =	vmul.f32 v4, v0  }
0x166: {  	v53 =	vld [tilespmem:s1+$0x190];
	[tilespmem:s1+$0x110] =	vst v5;
	v3 =	vmul.f32 v3, v0  }
0x167: {  	v54 =	vld [tilespmem:s1+$0x1A0];
	[tilespmem:s1+$0x120] =	vst v4;
	v2 =	vmul.f32 v2, v0  }
0x168: {  	v55 =	vld [tilespmem:s1+$0x1B0];
	v9 =	vmul.f32 v9, v0;
	[tilespmem:s7+$0x130] =	vst v3  }
0x169: {  	v10 =	vld [tilespmem:s1+$0x1C0];
	v57 =	vmul.f32 v51, v0;
	[tilespmem:s7+$0x140] =	vst v2  }
0x16a: {  	v56 =	vld [tilespmem:s1+$0x1D0];
	v7 =	vmul.f32 v52, v1;
	[tilespmem:s7+$0x150] =	vst v9  }
0x16b: {  	v59 =	vld [tilespmem:s1+$0x1F0];
	v6 =	vmul.f32 v53, v1;
	[tilespmem:s7+$0x160] =	vst v57  }
0x16c: {  	v58 =	vld [tilespmem:s1+$0x1E0];
	v60 =	vmul.f32 v54, v1;
	[tilespmem:s7+$0x180] =	vst v7  }
0x16d: {  	v4 =	vmul.f32 v55, v1;
	[tilespmem:s7+$0x190] =	vst v6  }
0x16e: {  	v61 =	vmul.f32 v10, v1;
	[tilespmem:s7+$0x1A0] =	vst v60  }
0x16f: {  	v62 =	vmul.f32 v56, v1;
	[tilespmem:s7+$0x1B0] =	vst v4  }
0x170: {  	v63 =	vmul.f32 v59, v1;
	[tilespmem:s7+$0x1C0] =	vst v61  }
0x171: {  	s0 =	sadd.s32 $0x1, s0;
	v2 =	vmul.f32 v58, v1;
	[tilespmem:s7+$0x1D0] =	vst v62  }
0x172: {  	p1 =	sne.s32 s0, $0x3E;
	[tilespmem:s7+$0x1F0] =	vst v63  }
.Ltmp2:
0x173: {  	[tilespmem:s7+$0x1E0] =	vst v2;
	(pc) =	sbr.rel @p1 .LBB2_2-.Ltmp2, $4  }
0x174: {  	[spmem:s3] =	stream.indirect.scatter.add.f32 [tilespmem:s23], [sflag:$0x3], $0x80, s29, s20, $0xb8;
	[tilespmem:$0x1B200] =	vst v63  }
0x175: {  	_ =	swait.ge [sflag:s16], $0x2800  }
0x176: {  	[sflag:s16] =	ssyncset.done $0x0  }
0x177: {  	s31 =	sadd.s32 $0xA0, s31;
	[sflag:s16] =	ssyncadd.s32 $0xFFFFD800  }
0x178: {  	_ =	swait.ge [sflag:s24], $0x2800  }
0x179: {  	s0 =	simm.s32 $0x26C8;
	[sflag:s24] =	ssyncset.done $0x0  }
0x17a: {  	s10 =	simm.s32 $0x26CE;
	v0 =	vmov s0;
	s0 =	simm.s32 $0x2B80;
	[sflag:s24] =	ssyncadd.s32 $0xFFFFD800  }
0x17b: {  	v1 =	vmov s10;
	v0 =	vand.u32 $0xFFFFFFF8, v0;
	v3 =	vld [tilespmem:s0+$0x170]  }
0x17c: {  	v1 =	vand.u32 $0xFFFFFFFE, v1;
	v0 =	vbroadcast v0, $0x0;
	v4 =	vld [tilespmem:s0+$0xFFFFFE00]  }
0x17d: {  	v1 =	vbroadcast v1, $0x0;
	v5 =	vld [tilespmem:s0+$0xFFFFFE10]  }
0x17e: {  	v6 =	vld [tilespmem:s0+$0xFFFFFE20]  }
0x17f: {  	v7 =	vld [tilespmem:s0+$0xFFFFFE30]  }
0x180: {  	v8 =	vld [tilespmem:s0+$0xFFFFFE40]  }
0x181: {  	v9 =	vld [tilespmem:s0+$0xFFFFFE50]  }
0x182: {  	s1 =	simm.s32 $0x26C9;
	v2 =	vld.idx.msk [tilespmem:v0+s25+$0x0], $0xffff  }
0x183: {  	v0 =	vld.idx.msk [tilespmem:v1+s25+$0x0], $0xffff;
	v1 =	vmov s1  }
0x184: {  	v10 =	vld [tilespmem:s0+$0xFFFFFE60];
	v1 =	vand.u32 $0xFFFFFFF9, v1  }
0x185: {  	v11 =	vld [tilespmem:s0+$0xFFFFFE70];
	v1 =	vbroadcast v1, $0x0  }
0x186: {  	v12 =	vld [tilespmem:s0+$0xFFFFFE80]  }
0x187: {  	v13 =	vld [tilespmem:s0+$0xFFFFFE90];
	v4 =	vmul.f32 v4, v2  }
0x188: {  	s12 =	simm.s32 $0x26CA;
	v14 =	vld [tilespmem:s0+$0xFFFFFEA0]  }
0x189: {  	v15 =	vld [tilespmem:s0+$0xFFFFFEB0];
	v3 =	vmul.f32 v3, v0;
	[tilespmem:s0+$0xFFFFFE00] =	vst v4;
	v4 =	vmov s12  }
0x18a: {  	v55 =	vld [tilespmem:s0+$0xFFFFFED0];
	v5 =	vmul.f32 v5, v2;
	v4 =	vand.u32 $0xFFFFFFFA, v4  }
0x18b: {  	v7 =	vmul.f32 v7, v2;
	[tilespmem:s0+$0x170] =	vst v3;
	v1 =	vld.idx.msk [tilespmem:v1+s25+$0x0], $0xffff;
	v4 =	vbroadcast v4, $0x0  }
0x18c: {  	v56 =	vld [tilespmem:s0+$0xFFFFFF30];
	v8 =	vmul.f32 v8, v2;
	[tilespmem:s0+$0xFFFFFE10] =	vst v5  }
0x18d: {  	v3 =	vmul.f32 v6, v2;
	v6 =	vld [tilespmem:s0+$0xFFFFFEC0];
	[tilespmem:s0+$0xFFFFFE30] =	vst v7  }
0x18e: {  	v7 =	vmul.f32 v9, v2;
	v9 =	vld [tilespmem:s0+$0xFFFFFEF0];
	[tilespmem:s0+$0xFFFFFE40] =	vst v8;
	v8 =	vmul.f32 v10, v2  }
0x18f: {  	v2 =	vmul.f32 v11, v2;
	[tilespmem:s0+$0xFFFFFE20] =	vst v3;
	v3 =	vld [tilespmem:s0+$0xFFFFFEE0]  }
0x190: {  	v10 =	vld [tilespmem:s0+$0xFFFFFF00];
	[tilespmem:s0+$0xFFFFFE60] =	vst v8;
	v5 =	vmul.f32 v12, v1  }
0x191: {  	s13 =	simm.s32 $0x26CB;
	[tilespmem:s0+$0xFFFFFE70] =	vst v2;
	v4 =	vld.idx.msk [tilespmem:v4+s25+$0x0], $0xffff  }
0x192: {  	v11 =	vld [tilespmem:s0+$0xFFFFFF20];
	v8 =	vmul.f32 v13, v1;
	v2 =	vmul.f32 v14, v1;
	[tilespmem:s0+$0xFFFFFE80] =	vst v5;
	v5 =	vmov s13  }
0x193: {  	v57 =	vld [tilespmem:s0+$0xFFFFFF40];
	[tilespmem:s0+$0xFFFFFE50] =	vst v7;
	v6 =	vmul.f32 v6, v1;
	v12 =	vmul.f32 v55, v1;
	v5 =	vand.u32 $0xFFFFFFFB, v5  }
0x194: {  	v58 =	vld [tilespmem:s0+$0xFFFFFFB0];
	v3 =	vmul.f32 v3, v1;
	[tilespmem:s0+$0xFFFFFE90] =	vst v8;
	v5 =	vbroadcast v5, $0x0  }
0x195: {  	v59 =	vld [tilespmem:s0+$0xFFFFFFC0];
	v8 =	vmul.f32 v15, v1;
	[tilespmem:s0+$0xFFFFFEA0] =	vst v2;
	v1 =	vmul.f32 v9, v1  }
0x196: {  	v7 =	vld [tilespmem:s0+$0xFFFFFF10];
	[tilespmem:s0+$0xFFFFFEC0] =	vst v6;
	v2 =	vmul.f32 v10, v4  }
0x197: {  	v61 =	vld [tilespmem:s0+$0x60];
	[tilespmem:s0+$0xFFFFFEF0] =	vst v1;
	v1 =	vmul.f32 v11, v4  }
0x198: {  	s14 =	simm.s32 $0x26CC;
	v9 =	vld [tilespmem:s0+$0xFFFFFF80];
	[tilespmem:s0+$0xFFFFFF00] =	vst v2  }
0x199: {  	v10 =	vld [tilespmem:s0+$0xFFFFFF50];
	v2 =	vmov s14;
	[tilespmem:s0+$0xFFFFFF20] =	vst v1;
	v1 =	vmul.f32 v57, v4  }
0x19a: {  	[tilespmem:s0+$0xFFFFFEE0] =	vst v3;
	v5 =	vld.idx.msk [tilespmem:v5+s25+$0x0], $0xffff;
	v2 =	vand.u32 $0xFFFFFFFC, v2  }
0x19b: {  	v3 =	vmul.f32 v7, v4;
	v2 =	vbroadcast v2, $0x0;
	[tilespmem:s0+$0xFFFFFF40] =	vst v1;
	v1 =	vld [tilespmem:s0+$0xFFFFFFE0]  }
0x19c: {  	[tilespmem:s0+$0xFFFFFEB0] =	vst v8;
	v8 =	vld [tilespmem:s0+$0xFFFFFF60]  }
0x19d: {  	v6 =	vld [tilespmem:s0+$0xFFFFFF70];
	[tilespmem:s0+$0xFFFFFF10] =	vst v3;
	v3 =	vmul.f32 v56, v4  }
0x19e: {  	[tilespmem:s0+$0xFFFFFED0] =	vst v12;
	v7 =	vld [tilespmem:s0+$0xFFFFFF90];
	v10 =	vmul.f32 v10, v4  }
0x19f: {  	v11 =	vld [tilespmem:s0+$0xFFFFFFA0];
	[tilespmem:s0+$0xFFFFFF30] =	vst v3;
	v3 =	vmul.f32 v9, v5  }
0x1a0: {  	s15 =	simm.s32 $0x26CD;
	[tilespmem:s0+$0xFFFFFF50] =	vst v10;
	v9 =	vld [tilespmem:s0+$0xFFFFFFD0];
	v1 =	vmul.f32 v1, v5  }
0x1a1: {  	v60 =	vld.idx.msk [tilespmem:v2+s25+$0x0], $0xffff;
	v2 =	vmul.f32 v8, v4;
	[tilespmem:s0+$0xFFFFFF80] =	vst v3;
	v3 =	vmov s15  }
0x1a2: {  	v4 =	vmul.f32 v6, v4;
	v8 =	vld [tilespmem:s0+$0x10];
	v3 =	vand.u32 $0xFFFFFFFD, v3;
	[tilespmem:s0+$0xFFFFFFE0] =	vst v1  }
0x1a3: {  	[tilespmem:s0+$0xFFFFFF60] =	vst v2;
	v2 =	vmul.f32 v7, v5;
	v7 =	vld [tilespmem:s0+$0x0];
	v3 =	vbroadcast v3, $0x0  }
0x1a4: {  	v6 =	vld [tilespmem:s0+$0xFFFFFFF0];
	[tilespmem:s0+$0xFFFFFF70] =	vst v4;
	v4 =	vmul.f32 v11, v5  }
0x1a5: {  	v10 =	vld [tilespmem:s0+$0x20];
	[tilespmem:s0+$0xFFFFFF90] =	vst v2;
	v2 =	vmul.f32 v58, v5  }
0x1a6: {  	v11 =	vld [tilespmem:s0+$0x30];
	[tilespmem:s0+$0xFFFFFFA0] =	vst v4;
	v4 =	vmul.f32 v59, v5  }
0x1a7: {  	[tilespmem:s0+$0xFFFFFFB0] =	vst v2;
	v2 =	vmul.f32 v9, v5;
	v9 =	vld [tilespmem:s0+$0x40]  }
0x1a8: {  	v1 =	vmul.f32 v8, v60;
	[tilespmem:s0+$0xFFFFFFC0] =	vst v4;
	v4 =	vmul.f32 v7, v60;
	v7 =	vld [tilespmem:s0+$0x50]  }
0x1a9: {  	[tilespmem:s0+$0xFFFFFFD0] =	vst v2;
	v2 =	vld.idx.msk [tilespmem:v3+s25+$0x0], $0xffff;
	v3 =	vmul.f32 v6, v5  }
0x1aa: {  	[tilespmem:s0+$0x10] =	vst v1;
	v5 =	vld [tilespmem:s0+$0x80]  }
0x1ab: {  	v62 =	vld [tilespmem:s0+$0xD0];
	[tilespmem:s0+$0xFFFFFFF0] =	vst v3;
	v3 =	vmul.f32 v10, v60  }
0x1ac: {  	v1 =	vmul.f32 v11, v60;
	[tilespmem:s0+$0x0] =	vst v4;
	v4 =	vld [tilespmem:s0+$0x70]  }
0x1ad: {  	s31 =	simm.s32 $0x26CF;
	v6 =	vld [tilespmem:s0+$0x90];
	[tilespmem:s0+$0x20] =	vst v3;
	v3 =	vmul.f32 v9, v60  }
0x1ae: {  	v8 =	vmov s31;
	[tilespmem:s0+$0x30] =	vst v1;
	v9 =	vld [tilespmem:s0+$0xA0];
	v1 =	vmul.f32 v7, v60  }
0x1af: {  	v10 =	vld [tilespmem:s0+$0xB0];
	v5 =	vmul.f32 v5, v2;
	[tilespmem:s0+$0x40] =	vst v3  }
0x1b0: {  	v11 =	vld [tilespmem:s0+$0xC0];
	v3 =	vmul.f32 v61, v60;
	[tilespmem:s0+$0x50] =	vst v1  }
0x1b1: {  	v63 =	vld [tilespmem:s0+$0xE0];
	v4 =	vmul.f32 v4, v60;
	[tilespmem:s0+$0x80] =	vst v5  }
0x1b2: {  	v7 =	vld [tilespmem:s0+$0xF0];
	[tilespmem:s0+$0x60] =	vst v3;
	v3 =	vmul.f32 v6, v2  }
0x1b3: {  	v1 =	vld.idx.msk [tilespmem:v8+s25+$0x0], $0xffff;
	[tilespmem:s0+$0x70] =	vst v4;
	v4 =	vmul.f32 v9, v2  }
0x1b4: {  	v6 =	vld [tilespmem:s0+$0x100];
	[tilespmem:s0+$0x90] =	vst v3;
	v3 =	vmul.f32 v10, v2  }
0x1b5: {  	v5 =	vld [tilespmem:s0+$0x110];
	[tilespmem:s0+$0xA0] =	vst v4;
	v4 =	vmul.f32 v11, v2  }
0x1b6: {  	v9 =	vmul.f32 v62, v2;
	[tilespmem:s0+$0xB0] =	vst v3;
	v3 =	vld [tilespmem:s0+$0x120]  }
0x1b7: {  	s1 =	simm.s32 $0x0;
	v8 =	vmul.f32 v63, v2;
	[tilespmem:s0+$0xC0] =	vst v4;
	v4 =	vld [tilespmem:s0+$0x130]  }
.LBB2_8:
0x1b8: {  	s7 =	sadd.s32 $0x26D7, s1;
	[tilespmem:s0+$0xD0] =	vst v9;
	v2 =	vmul.f32 v7, v2;
	v7 =	vld [tilespmem:s0+$0x140]  }
0x1b9: {  	s8 =	sadd.s32 $0x26D0, s1;
	s9 =	sadd.s32 $0x26D1, s1;
	v9 =	vmov s7;
	[tilespmem:s0+$0xE0] =	vst v8;
	v6 =	vmul.f32 v6, v0;
	v8 =	vld [tilespmem:s0+$0x150]  }
0x1ba: {  	v10 =	vmov s8;
	v11 =	vmov s9;
	s7 =	sadd.s32 $0x26D2, s1;
	s8 =	sadd.s32 $0x26D3, s1;
	[tilespmem:s0+$0xF0] =	vst v2;
	v2 =	vmul.f32 v5, v0;
	v5 =	vld [tilespmem:s0+$0x160]  }
0x1bb: {  	v12 =	vmov s7;
	v13 =	vmov s8;
	s7 =	sadd.s32 $0x26D4, s1;
	s8 =	sadd.s32 $0x26D5, s1;
	[tilespmem:s0+$0x100] =	vst v6;
	v3 =	vmul.f32 v3, v0;
	v6 =	vld [tilespmem:s0+$0x180]  }
0x1bc: {  	v14 =	vmov s7;
	v15 =	vmov s8;
	[tilespmem:s0+$0x110] =	vst v2;
	v2 =	vmul.f32 v4, v0;
	v4 =	vld [tilespmem:s0+$0x190]  }
0x1bd: {  	v10 =	vand.u32 $0xFFFFFFF8, v10;
	v11 =	vand.u32 $0xFFFFFFF9, v11;
	[tilespmem:s0+$0x120] =	vst v3;
	v3 =	vmul.f32 v7, v0;
	v7 =	vld [tilespmem:s0+$0x1A0]  }
0x1be: {  	v10 =	vbroadcast v10, $0x0;
	v12 =	vand.u32 $0xFFFFFFFA, v12;
	[tilespmem:s0+$0x130] =	vst v2;
	v2 =	vmul.f32 v8, v0;
	v8 =	vld [tilespmem:s0+$0x1B0]  }
0x1bf: {  	v11 =	vbroadcast v11, $0x0;
	v13 =	vand.u32 $0xFFFFFFFB, v13;
	[tilespmem:s0+$0x140] =	vst v3;
	v0 =	vmul.f32 v5, v0;
	v3 =	vld [tilespmem:s0+$0x1C0]  }
0x1c0: {  	v5 =	vbroadcast v12, $0x0;
	v12 =	vand.u32 $0xFFFFFFFC, v14;
	[tilespmem:s0+$0x150] =	vst v2;
	v2 =	vmul.f32 v6, v1;
	v6 =	vld [tilespmem:s0+$0x1D0]  }
0x1c1: {  	s7 =	sadd.s32 $0x26D6, s1;
	s1 =	sadd.s32 $0x8, s1;
	v13 =	vbroadcast v13, $0x0;
	v14 =	vand.u32 $0xFFFFFFFD, v15;
	[tilespmem:s0+$0x160] =	vst v0;
	v0 =	vmul.f32 v4, v1;
	v4 =	vld [tilespmem:s0+$0x1E0]  }
0x1c2: {  	p1 =	slt.u32 s1, $0x48;
	v15 =	vmov s7;
	v12 =	vbroadcast v12, $0x0;
	[tilespmem:s0+$0x180] =	vst v2;
	v2 =	vmul.f32 v7, v1;
	v7 =	vld [tilespmem:s0+$0x1F0]  }
0x1c3: {  	v14 =	vbroadcast v14, $0x0;
	v15 =	vand.u32 $0xFFFFFFFE, v15;
	v9 =	vld.idx.msk [tilespmem:v9+s25+$0x0], $0xffff;
	[tilespmem:s0+$0x190] =	vst v0;
	v0 =	vmul.f32 v8, v1  }
0x1c4: {  	v8 =	vld.idx.msk [tilespmem:v10+s25+$0x0], $0xffff;
	v10 =	vbroadcast v15, $0x0;
	[tilespmem:s0+$0x1A0] =	vst v2;
	v2 =	vmul.f32 v3, v1  }
0x1c5: {  	v11 =	vld.idx.msk [tilespmem:v11+s25+$0x0], $0xffff;
	[tilespmem:s0+$0x1B0] =	vst v0;
	v0 =	vmul.f32 v6, v1  }
0x1c6: {  	v5 =	vld.idx.msk [tilespmem:v5+s25+$0x0], $0xffff;
	[tilespmem:s0+$0x1C0] =	vst v2;
	v2 =	vmul.f32 v4, v1  }
0x1c7: {  	v4 =	vld.idx.msk [tilespmem:v13+s25+$0x0], $0xffff;
	[tilespmem:s0+$0x1D0] =	vst v0;
	v0 =	vmul.f32 v7, v1  }
0x1c8: {  	v3 =	vld.idx.msk [tilespmem:v12+s25+$0x0], $0xffff;
	[tilespmem:s0+$0x1E0] =	vst v2  }
0x1c9: {  	v1 =	vmov v9;
	v2 =	vld.idx.msk [tilespmem:v14+s25+$0x0], $0xffff;
	[tilespmem:s0+$0x1F0] =	vst v0  }
0x1ca: {  	s0 =	sadd.s32 $0x400, s0;
	v0 =	vld.idx.msk [tilespmem:v10+s25+$0x0], $0xffff  }
0x1cb: {  	v6 =	vld [tilespmem:s0+$0x170]  }
0x1cc: {  	v7 =	vld [tilespmem:s0+$0xFFFFFE00]  }
0x1cd: {  	v9 =	vld [tilespmem:s0+$0xFFFFFE10]  }
0x1ce: {  	v10 =	vld [tilespmem:s0+$0xFFFFFE20]  }
0x1cf: {  	v12 =	vld [tilespmem:s0+$0xFFFFFE30]  }
0x1d0: {  	v13 =	vld [tilespmem:s0+$0xFFFFFE40];
	v6 =	vmul.f32 v6, v0  }
0x1d1: {  	v7 =	vmul.f32 v7, v8;
	v14 =	vld [tilespmem:s0+$0xFFFFFE50]  }
0x1d2: {  	v9 =	vmul.f32 v9, v8;
	v15 =	vld [tilespmem:s0+$0xFFFFFE60];
	[tilespmem:s0+$0x170] =	vst v6  }
0x1d3: {  	[tilespmem:s0+$0xFFFFFE00] =	vst v7;
	v6 =	vmul.f32 v10, v8;
	v7 =	vld [tilespmem:s0+$0xFFFFFE70]  }
0x1d4: {  	[tilespmem:s0+$0xFFFFFE10] =	vst v9;
	v9 =	vmul.f32 v12, v8;
	v10 =	vld [tilespmem:s0+$0xFFFFFE80]  }
0x1d5: {  	[tilespmem:s0+$0xFFFFFE20] =	vst v6;
	v6 =	vmul.f32 v13, v8;
	v12 =	vld [tilespmem:s0+$0xFFFFFE90]  }
0x1d6: {  	[tilespmem:s0+$0xFFFFFE30] =	vst v9;
	v9 =	vmul.f32 v14, v8;
	v13 =	vld [tilespmem:s0+$0xFFFFFEA0]  }
0x1d7: {  	[tilespmem:s0+$0xFFFFFE40] =	vst v6;
	v6 =	vmul.f32 v15, v8;
	v14 =	vld [tilespmem:s0+$0xFFFFFEB0]  }
0x1d8: {  	[tilespmem:s0+$0xFFFFFE50] =	vst v9;
	v7 =	vmul.f32 v7, v8;
	v8 =	vld [tilespmem:s0+$0xFFFFFEC0]  }
0x1d9: {  	[tilespmem:s0+$0xFFFFFE60] =	vst v6;
	v6 =	vmul.f32 v10, v11;
	v9 =	vld [tilespmem:s0+$0xFFFFFED0]  }
0x1da: {  	[tilespmem:s0+$0xFFFFFE70] =	vst v7;
	v7 =	vmul.f32 v12, v11;
	v10 =	vld [tilespmem:s0+$0xFFFFFEE0]  }
0x1db: {  	[tilespmem:s0+$0xFFFFFE80] =	vst v6;
	v6 =	vmul.f32 v13, v11;
	v12 =	vld [tilespmem:s0+$0xFFFFFEF0]  }
0x1dc: {  	[tilespmem:s0+$0xFFFFFE90] =	vst v7;
	v7 =	vmul.f32 v14, v11;
	v13 =	vld [tilespmem:s0+$0xFFFFFF00]  }
0x1dd: {  	[tilespmem:s0+$0xFFFFFEA0] =	vst v6;
	v6 =	vmul.f32 v8, v11;
	v8 =	vld [tilespmem:s0+$0xFFFFFF10]  }
0x1de: {  	[tilespmem:s0+$0xFFFFFEB0] =	vst v7;
	v7 =	vmul.f32 v9, v11;
	v9 =	vld [tilespmem:s0+$0xFFFFFF20]  }
0x1df: {  	[tilespmem:s0+$0xFFFFFEC0] =	vst v6;
	v6 =	vmul.f32 v10, v11;
	v10 =	vld [tilespmem:s0+$0xFFFFFF30]  }
0x1e0: {  	[tilespmem:s0+$0xFFFFFED0] =	vst v7;
	v7 =	vmul.f32 v12, v11;
	v11 =	vld [tilespmem:s0+$0xFFFFFF40]  }
0x1e1: {  	[tilespmem:s0+$0xFFFFFEE0] =	vst v6;
	v6 =	vmul.f32 v13, v5;
	v12 =	vld [tilespmem:s0+$0xFFFFFF50]  }
0x1e2: {  	[tilespmem:s0+$0xFFFFFEF0] =	vst v7;
	v7 =	vmul.f32 v8, v5;
	v8 =	vld [tilespmem:s0+$0xFFFFFF60]  }
0x1e3: {  	[tilespmem:s0+$0xFFFFFF00] =	vst v6;
	v6 =	vmul.f32 v9, v5;
	v9 =	vld [tilespmem:s0+$0xFFFFFF70]  }
0x1e4: {  	[tilespmem:s0+$0xFFFFFF10] =	vst v7;
	v7 =	vmul.f32 v10, v5;
	v10 =	vld [tilespmem:s0+$0xFFFFFF80]  }
0x1e5: {  	[tilespmem:s0+$0xFFFFFF20] =	vst v6;
	v6 =	vmul.f32 v11, v5;
	v11 =	vld [tilespmem:s0+$0xFFFFFF90]  }
0x1e6: {  	[tilespmem:s0+$0xFFFFFF30] =	vst v7;
	v7 =	vmul.f32 v12, v5;
	v12 =	vld [tilespmem:s0+$0xFFFFFFA0]  }
0x1e7: {  	[tilespmem:s0+$0xFFFFFF40] =	vst v6;
	v6 =	vmul.f32 v8, v5;
	v8 =	vld [tilespmem:s0+$0xFFFFFFB0]  }
0x1e8: {  	[tilespmem:s0+$0xFFFFFF50] =	vst v7;
	v5 =	vmul.f32 v9, v5;
	v7 =	vld [tilespmem:s0+$0xFFFFFFC0]  }
0x1e9: {  	[tilespmem:s0+$0xFFFFFF60] =	vst v6;
	v6 =	vmul.f32 v10, v4;
	v9 =	vld [tilespmem:s0+$0xFFFFFFD0]  }
0x1ea: {  	[tilespmem:s0+$0xFFFFFF70] =	vst v5;
	v5 =	vmul.f32 v11, v4;
	v10 =	vld [tilespmem:s0+$0xFFFFFFE0]  }
0x1eb: {  	[tilespmem:s0+$0xFFFFFF80] =	vst v6;
	v6 =	vmul.f32 v12, v4;
	v11 =	vld [tilespmem:s0+$0xFFFFFFF0]  }
0x1ec: {  	[tilespmem:s0+$0xFFFFFF90] =	vst v5;
	v5 =	vmul.f32 v8, v4;
	v8 =	vld [tilespmem:s0+$0x0]  }
0x1ed: {  	[tilespmem:s0+$0xFFFFFFA0] =	vst v6;
	v6 =	vmul.f32 v7, v4;
	v7 =	vld [tilespmem:s0+$0x10]  }
0x1ee: {  	[tilespmem:s0+$0xFFFFFFB0] =	vst v5;
	v5 =	vmul.f32 v9, v4;
	v9 =	vld [tilespmem:s0+$0x20]  }
0x1ef: {  	[tilespmem:s0+$0xFFFFFFC0] =	vst v6;
	v6 =	vmul.f32 v10, v4;
	v10 =	vld [tilespmem:s0+$0x30]  }
0x1f0: {  	[tilespmem:s0+$0xFFFFFFD0] =	vst v5;
	v4 =	vmul.f32 v11, v4;
	v5 =	vld [tilespmem:s0+$0x40]  }
0x1f1: {  	[tilespmem:s0+$0xFFFFFFE0] =	vst v6;
	v6 =	vmul.f32 v8, v3;
	v8 =	vld [tilespmem:s0+$0x50]  }
0x1f2: {  	[tilespmem:s0+$0xFFFFFFF0] =	vst v4;
	v4 =	vmul.f32 v7, v3;
	v7 =	vld [tilespmem:s0+$0x60]  }
0x1f3: {  	[tilespmem:s0+$0x0] =	vst v6;
	v6 =	vmul.f32 v9, v3;
	v9 =	vld [tilespmem:s0+$0x70]  }
0x1f4: {  	[tilespmem:s0+$0x10] =	vst v4;
	v4 =	vmul.f32 v10, v3;
	v10 =	vld [tilespmem:s0+$0x80]  }
0x1f5: {  	[tilespmem:s0+$0x20] =	vst v6;
	v5 =	vmul.f32 v5, v3;
	v6 =	vld [tilespmem:s0+$0x90]  }
0x1f6: {  	[tilespmem:s0+$0x30] =	vst v4;
	v4 =	vmul.f32 v8, v3;
	v8 =	vld [tilespmem:s0+$0xA0]  }
0x1f7: {  	[tilespmem:s0+$0x40] =	vst v5;
	v5 =	vmul.f32 v7, v3;
	v11 =	vld [tilespmem:s0+$0xB0]  }
0x1f8: {  	[tilespmem:s0+$0x50] =	vst v4;
	v3 =	vmul.f32 v9, v3;
	v4 =	vld [tilespmem:s0+$0xC0]  }
0x1f9: {  	[tilespmem:s0+$0x60] =	vst v5;
	v5 =	vmul.f32 v10, v2;
	v9 =	vld [tilespmem:s0+$0xD0]  }
0x1fa: {  	[tilespmem:s0+$0x70] =	vst v3;
	v3 =	vmul.f32 v6, v2;
	v10 =	vld [tilespmem:s0+$0xE0]  }
.Ltmp3:
0x1fb: {  	[tilespmem:s0+$0x80] =	vst v5;
	v5 =	vmul.f32 v8, v2;
	v7 =	vld [tilespmem:s0+$0xF0];
	(pc) =	sbr.rel @p1 .LBB2_8-.Ltmp3, $4  }
0x1fc: {  	[tilespmem:s0+$0x90] =	vst v3;
	v3 =	vmul.f32 v11, v2;
	v6 =	vld [tilespmem:s0+$0x100]  }
0x1fd: {  	[tilespmem:s0+$0xA0] =	vst v5;
	v4 =	vmul.f32 v4, v2;
	v5 =	vld [tilespmem:s0+$0x110]  }
0x1fe: {  	[tilespmem:s0+$0xB0] =	vst v3;
	v9 =	vmul.f32 v9, v2;
	v3 =	vld [tilespmem:s0+$0x120]  }
0x1ff: {  	[tilespmem:s0+$0xC0] =	vst v4;
	v8 =	vmul.f32 v10, v2;
	v4 =	vld [tilespmem:s0+$0x130]  }
0x200: {  	v10 =	vld [tilespmem:s0+$0x140];
	[tilespmem:s0+$0xD0] =	vst v9;
	v2 =	vmul.f32 v7, v2  }
0x201: {  	v42 =	vld [tilespmem:s0+$0x150];
	[tilespmem:s0+$0xE0] =	vst v8;
	v6 =	vmul.f32 v6, v0  }
0x202: {  	v45 =	vld [tilespmem:s0+$0x180];
	[tilespmem:s0+$0xF0] =	vst v2;
	v44 =	vmul.f32 v5, v0  }
0x203: {  	v43 =	vld [tilespmem:s0+$0x160];
	[tilespmem:s0+$0x100] =	vst v6;
	v3 =	vmul.f32 v3, v0  }
0x204: {  	v46 =	vld [tilespmem:s0+$0x190];
	[tilespmem:s0+$0x110] =	vst v44;
	v47 =	vmul.f32 v4, v0  }
0x205: {  	v48 =	vld [tilespmem:s0+$0x1A0];
	[tilespmem:s0+$0x120] =	vst v3;
	v49 =	vmul.f32 v10, v0  }
0x206: {  	v50 =	vld [tilespmem:s0+$0x1B0];
	v51 =	vmul.f32 v42, v0;
	[tilespmem:s0+$0x130] =	vst v47  }
0x207: {  	v52 =	vld [tilespmem:s0+$0x1C0];
	v53 =	vmul.f32 v45, v1;
	[tilespmem:s0+$0x140] =	vst v49  }
0x208: {  	v54 =	vld [tilespmem:s0+$0x1D0];
	v55 =	vmul.f32 v43, v0;
	[tilespmem:s0+$0x150] =	vst v51  }
0x209: {  	v56 =	vld [tilespmem:s0+$0x1E0];
	v6 =	vmul.f32 v46, v1;
	[tilespmem:s0+$0x180] =	vst v53  }
0x20a: {  	v58 =	vld [tilespmem:s0+$0x1F0];
	v57 =	vmul.f32 v48, v1;
	[tilespmem:s0+$0x160] =	vst v55  }
0x20b: {  	v59 =	vmul.f32 v50, v1;
	[tilespmem:s0+$0x190] =	vst v6  }
0x20c: {  	v60 =	vmul.f32 v52, v1;
	[tilespmem:s0+$0x1A0] =	vst v57  }
0x20d: {  	v61 =	vmul.f32 v54, v1;
	[tilespmem:s0+$0x1B0] =	vst v59  }
0x20e: {  	v62 =	vmul.f32 v56, v1;
	[tilespmem:s0+$0x1C0] =	vst v60  }
0x20f: {  	v63 =	vmul.f32 v58, v1;
	[tilespmem:s0+$0x1D0] =	vst v61  }
0x210: {  	[tilespmem:s0+$0x1E0] =	vst v62  }
0x211: {  	[tilespmem:s0+$0x1F0] =	vst v63  }
0x212: {  	[spmem:s3] =	stream.indirect.scatter.add.f32 [tilespmem:s21], [sflag:$0x3], $0x80, s26, s20, $0xb8;
	[tilespmem:$0x1B200] =	vst v63  }
0x213: {  	_ =	swait.ge [sflag:s16], $0x2800  }
0x214: {  	[sflag:s16] =	ssyncset.done $0x0  }
0x215: {  	[sflag:s16] =	ssyncadd.s32 $0xFFFFD800  }
0x216: {  	[bflag:$0x0] =	sbarrier.arrive $0xFFFF  }
0x217: {  	s31 =	rddreg [dreg:$0x9]  }
0x218: {  	[hbm:s31], [sflag:s17] =	dma.local [spmem:s18], $0x2700  }
0x219: {  	_ =	swait.ge [sflag:s16], $0x2700  }
0x21a: {  	[sflag:s16] =	ssyncset.done $0x0  }
0x21b: {  	s0 =	rddreg [dreg:$0xa];
	[sflag:s16] =	ssyncadd.s32 $0xFFFFD900  }
0x21c: {  	[hbm:s0], [sflag:s17] =	dma.local @!p0 [spmem:s19], $0x100  }
0x21d: {  	s0 =	simm.s32 @!p0 $0x3  }
0x21e: {  	_ =	swait.ge @!p0 [sflag:s0], $0x100  }
0x21f: {  	s30 =	sadd.s32 $0x1, s30;
	s1 =	rddreg [dreg:$0xb]  }
0x220: {  	p1 =	sne.s32 s30, s1  }
.Ltmp4:
0x221: {  	_ = 	snop;
	(pc) =	sbr.rel @p1 .LBB2_1-.Ltmp4, $3  }
0x222: {  	_ =	sdelay $0x1  }
0x223: {  	[sflag:s0] =	ssyncset.done @!p0 $0x0  }
0x224: {  	[sflag:s0] =	ssyncadd.s32 @!p0 $0xFFFFFF00  }
0x225: {  	_ =	sfence.sel $0x180000  }
0x226: {  	[bflag:$0x0] =	sbarrier.arrive $0xFFFF  }
0x227: {  	_ =	strace $0x90000047  }
0x228: {  	s0 =	stileid.u32;
	[bflag:$0x2] =	sbarrier.arrive $0xFFFF  }
0x229: {  	p0 =	sne.s32 s0, $0x0;
	s0 =	rddreg [dreg:$0x4]  }
0x22a: {  	s0 =	sadd.s32 @!p0 $0x100000, s0  }
0x22b: {  	[sflag:s0] =	ssyncadd.tile.s32 @!p0 $0x1;
	_ =	shalt  }
.Lfunc_end2:
_tile_overlayer_lowered:
.L_overlay_start_2:
0x22c: {  	(tag) =	ssettag $0x2  }
0x22d: {  	s0 =	rddreg [dreg:$0x0];
	s2 =	stileid.u32  }
0x22e: {  	s1 =	rddreg [dreg:$0x1];
	p0 =	sne.s32 s2, $0x0  }
0x22f: {  	s3 =	rddreg [dreg:$0x2];
	[bflag:$0x3] =	sbarrier.arrive $0xFFFF;
	s2 =	simm.s32 @!p0 $0x1C03  }
0x230: {  	[timem:s3], [sflag:s2] =	dma.local @!p0 [hbm:s0], s1  }
0x231: {  	s0 =	simm.s32 @!p0 $0x3  }
0x232: {  	_ =	swait.ge @!p0 [sflag:s0], s1  }
0x233: {  	s1 =	ssub.s32 @!p0 $0x0, s1;
	[sflag:s0] =	ssyncset.done @!p0 $0x0  }
0x234: {  	[sflag:s0] =	ssyncadd.s32 @!p0 s1  }
0x235: {  	[bflag:$0x3] =	sbarrier.arrive $0xFFFF  }
0x236: {  	_ =	shalt  }

</sc_bundles>
